<compile_context>
chip_gen: v7x
topology: tpu7x:2x2x1
jax: 0.10.2.dev20260603
libtpu: 0.0.44.dev20260713+nightly
codegen_flags: <defaults>
</compile_context>

<pallas_src>
import functools

import jax
import jax.numpy as jnp
from jax import lax
from jax.experimental import pallas as pl
from jax.experimental.pallas import tpu as pltpu
from jax.experimental.pallas import tpu_sc as plsc

_N = 10000
_E = 320000
_D = 128
_DE = 16
_B = 512
_OUT = 12

_NC = 2
_NS = 16
_CHUNK = 80
_EPC = _E // _NC
_EPW = _EPC // _NS
_NCHUNK = _EPW // _CHUNK
_SUP = 5
_RSTRIPE = 624
_RCHUNKS = 8


def _sc_agg_body(x_hbm, ea_hbm, src_hbm, dst_hbm, zx_hbm, ze_hbm, iota_hbm,
                 outx_hbm, oute_hbm,
                 idx_v, src5_v, dst5_v, rows0_v, rows1_v, ea5_v,
                 accx_s, acce_s, gsem0, gsem1, csem0, csem1):
    c = lax.axis_index("c")
    s = lax.axis_index("s")

    pltpu.sync_copy(zx_hbm, rows0_v)
    pltpu.sync_copy(ze_hbm, ea5_v.at[pl.ds(0, _CHUNK)])

    def zstep(j, carry):
        base = s * _RSTRIPE + j * _CHUNK
        pltpu.sync_copy(iota_hbm.at[pl.ds(base, _CHUNK)], idx_v)
        pltpu.sync_copy(rows0_v, accx_s.at[idx_v])
        pltpu.sync_copy(ea5_v.at[pl.ds(0, _CHUNK)], acce_s.at[idx_v])
        return carry

    lax.fori_loop(0, _RCHUNKS, zstep, 0)
    plsc.subcore_barrier()

    r0 = (c * _EPC + s * _EPW) // _CHUNK

    def sup(m, carry):
        row = r0 + m * _SUP
        pltpu.sync_copy(src_hbm.at[pl.ds(row, _SUP)], src5_v)
        pltpu.sync_copy(dst_hbm.at[pl.ds(row, _SUP)], dst5_v)
        pltpu.sync_copy(ea_hbm.at[pl.ds(row * _CHUNK, _SUP * _CHUNK)], ea5_v)
        dg = pltpu.async_copy(x_hbm.at[src5_v.at[0]], rows0_v, gsem0)
        sc_prev = None
        for j in range(_SUP):
            rows_cur = rows0_v if j % 2 == 0 else rows1_v
            rows_nxt = rows1_v if j % 2 == 0 else rows0_v
            gsem_nxt = gsem1 if j % 2 == 0 else gsem0
            csem_cur = csem0 if j % 2 == 0 else csem1
            if sc_prev is not None:
                sc_prev[0].wait()
                sc_prev[1].wait()
            if j + 1 < _SUP:
                dg_nxt = pltpu.async_copy(x_hbm.at[src5_v.at[j + 1]], rows_nxt,
                                          gsem_nxt)
            dg.wait()
            if j + 1 < _SUP:
                dg = dg_nxt
            sc_prev = (
                pltpu.async_copy(rows_cur, accx_s.at[dst5_v.at[j]], csem_cur,
                                 add=True),
                pltpu.async_copy(ea5_v.at[pl.ds(j * _CHUNK, _CHUNK)],
                                 acce_s.at[dst5_v.at[j]], csem_cur, add=True),
            )
        sc_prev[0].wait()
        sc_prev[1].wait()
        return carry

    lax.fori_loop(0, _NCHUNK // _SUP, sup, 0)
    plsc.subcore_barrier()

    def wstep(j, carry):
        base = s * _RSTRIPE + j * _CHUNK
        pltpu.sync_copy(iota_hbm.at[pl.ds(base, _CHUNK)], idx_v)
        pltpu.async_copy(accx_s.at[idx_v], rows0_v, gsem0).wait()
        pltpu.sync_copy(rows0_v, outx_hbm.at[pl.ds(c * _N + base, _CHUNK)])
        pltpu.async_copy(acce_s.at[idx_v], ea5_v.at[pl.ds(0, _CHUNK)],
                         gsem0).wait()
        pltpu.sync_copy(ea5_v.at[pl.ds(0, _CHUNK)],
                        oute_hbm.at[pl.ds(c * _N + base, _CHUNK)])
        return carry

    lax.fori_loop(0, _RCHUNKS, wstep, 0)


@functools.cache
def _sc_agg():
    return functools.partial(
        pl.kernel,
        mesh=plsc.VectorSubcoreMesh(core_axis_name="c", subcore_axis_name="s",
                                    num_cores=_NC),
        compiler_params=pltpu.CompilerParams(use_tc_tiling_on_sc=False),
        out_type=[jax.ShapeDtypeStruct((_NC * _N, _D), jnp.float32),
                  jax.ShapeDtypeStruct((_NC * _N, _DE), jnp.float32)],
        scratch_types=[
            pltpu.VMEM((_CHUNK,), jnp.int32),
            pltpu.VMEM((_SUP, _CHUNK), jnp.int32),
            pltpu.VMEM((_SUP, _CHUNK), jnp.int32),
            pltpu.VMEM((_CHUNK, _D), jnp.float32),
            pltpu.VMEM((_CHUNK, _D), jnp.float32),
            pltpu.VMEM((_SUP * _CHUNK, _DE), jnp.float32),
            pltpu.VMEM_SHARED((_N, _D), jnp.float32),
            pltpu.VMEM_SHARED((_N, _DE), jnp.float32),
            pltpu.SemaphoreType.DMA,
            pltpu.SemaphoreType.DMA,
            pltpu.SemaphoreType.DMA,
            pltpu.SemaphoreType.DMA,
        ],
    )(_sc_agg_body)


def _post_body(x_ref, w1_ref, w2_ref, we_ref, wout_ref, bout_ref,
               aggx_ref, agge_ref, batch_ref, bshift_ref, o_ref):
    aggx = aggx_ref[pl.ds(0, _N), :]
    agge = agge_ref[pl.ds(0, _N), :]
    for c in range(1, _NC):
        aggx = aggx + aggx_ref[pl.ds(c * _N, _N), :]
        agge = agge + agge_ref[pl.ds(c * _N, _N), :]
    h = (jnp.dot(x_ref[...], w1_ref[...], preferred_element_type=jnp.float32)
         + jnp.dot(aggx, w2_ref[...], preferred_element_type=jnp.float32)
         + jnp.dot(agge, we_ref[...], preferred_element_type=jnp.float32))
    h = jnp.maximum(h, 0.0)
    b = batch_ref[...]
    bs = bshift_ref[...]
    gid = lax.broadcasted_iota(jnp.int32, (1, _N), 1)
    keep = jnp.logical_and(b == bs, gid != _N - 1)
    gids = lax.broadcasted_iota(jnp.int32, (_B, _N), 0)
    pt = jnp.where(jnp.logical_and(gids == b, keep), 1.0, 0.0)
    hg = jnp.dot(pt, h, preferred_element_type=jnp.float32)
    cnt = jnp.sum(pt, axis=1, keepdims=True)
    hg = hg / jnp.maximum(cnt, 1.0)
    o_ref[...] = (jnp.dot(hg, wout_ref[...], preferred_element_type=jnp.float32)
                  + bout_ref[...])


def _post_call(interpret=False):
    return pl.pallas_call(
        _post_body,
        out_shape=jax.ShapeDtypeStruct((_B, _OUT), jnp.float32),
        interpret=interpret,
    )


def kernel(x, edge_index, edge_attr, batch, W1, W2, We, Wout, bout):
    src = edge_index[0].astype(jnp.int32).reshape(_E // _CHUNK, _CHUNK)
    dst = edge_index[1].astype(jnp.int32).reshape(_E // _CHUNK, _CHUNK)
    batch32 = batch.astype(jnp.int32)
    bshift = jnp.concatenate([batch32[:1], batch32[:-1]])
    zx = jnp.zeros((_CHUNK, _D), jnp.float32)
    ze = jnp.zeros((_CHUNK, _DE), jnp.float32)
    iota = jnp.arange(_NC * _N, dtype=jnp.int32)
    aggx, agge = _sc_agg()(x, edge_attr, src, dst, zx, ze, iota)
    return _post_call()(
        x, W1, W2, We, Wout, bout.reshape(1, _OUT),
        aggx, agge, batch32.reshape(1, _N), bshift.reshape(1, _N))

# --- scband reference (transcript-rebuilt; emitter-appended) ---
"""Pipeline reference for scband-atoms-only-wrapper-80650895884973 (READ-ONLY COPY).

The authoritative reference and input builder live on the scoring server;
editing this copy changes nothing except your own understanding.
"""

import jax, jax.numpy as jnp
import numpy as np

N = 10000
E = 320000
D = 128
DE = 16
BMAX = 512
OUT = 12

def setup_inputs(seed: int = 0) -> dict:
    key = jax.random.key(seed)
    ks = jax.random.split(key, 9)
    x = jax.random.normal(ks[0], (N, D), dtype=jnp.float32)
    edge_index = jax.random.randint(ks[1], (2, E), 0, N, dtype=jnp.int64)
    edge_attr = jax.random.normal(ks[2], (E, DE), dtype=jnp.float32)
    batch = jnp.sort(jax.random.randint(ks[3], (N,), 0, BMAX, dtype=jnp.int64))
    # guarantee max graph id is BMAX-1 so B is deterministic
    batch = batch.at[-1].set(BMAX - 1)
    # surrogate base.gnn parameters (one message-passing layer)
    W1 = jax.random.normal(ks[4], (D, D), dtype=jnp.float32) * 0.05
    W2 = jax.random.normal(ks[5], (D, D), dtype=jnp.float32) * 0.05
    We = jax.random.normal(ks[6], (DE, D), dtype=jnp.float32) * 0.05
    # base.graph_pred_linear parameters
    Wout = jax.random.normal(ks[7], (D, OUT), dtype=jnp.float32) * 0.05
    bout = jnp.zeros((OUT,), dtype=jnp.float32)
    return {"x": x, "edge_index": edge_index, "edge_attr": edge_attr, "batch": batch,
            "W1": W1, "W2": W2, "We": We, "Wout": Wout, "bout": bout}

def reference(x, edge_index, edge_attr, batch, W1, W2, We, Wout, bout):
    # --- base.gnn: one GNN layer with edge features (scatter-add aggregation) ---
    src = edge_index[0]
    dst = edge_index[1]
    msg = x[src] @ W2 + edge_attr @ We
    agg = jax.ops.segment_sum(msg, dst, num_segments=x.shape[0])
    H = jax.nn.relu(x @ W1 + agg)
    # --- AtomsOnlyWrapper pooling (exclude last node of each graph) ---
    B = BMAX
    n, Dh = H.shape
    change = batch[1:] != batch[:-1]
    node_keep_mask = jnp.concatenate(
        [jnp.ones((1,), dtype=bool), jnp.logical_not(change)], axis=0)
    node_keep_mask = node_keep_mask.at[n - 1].set(False)
    H_masked = H * node_keep_mask[:, None].astype(H.dtype)
    h_graph = jnp.zeros((B, Dh), dtype=H.dtype).at[batch].add(H_masked)
    counts = jax.ops.segment_sum(node_keep_mask.astype(jnp.float32), batch, num_segments=B)
    counts = jnp.clip(counts, 1.0, None)[:, None]
    h_graph = h_graph / counts
    # --- base.graph_pred_linear ---
    return h_graph @ Wout + bout

if __name__ == "__main__":
    import jax
    _d = setup_inputs()
    print(jax.jit(kernel)(*tuple(_d.values())))

</pallas_src>

<mosaic_0001>
#map = affine_map<(d0, d1) -> (0, 0)>
#map1 = affine_map<(d0, d1) -> (0)>
module attributes {stable_mosaic.version = 14 : i64} {
  func.func @_sc_agg_body(%arg0: i32, %arg1: i32, %arg2: memref<10000x128xf32, #tpu.memory_space<hbm>>, %arg3: memref<320000x16xf32, #tpu.memory_space<hbm>>, %arg4: memref<4000x80xi32, #tpu.memory_space<hbm>>, %arg5: memref<4000x80xi32, #tpu.memory_space<hbm>>, %arg6: memref<80x128xf32, #tpu.memory_space<hbm>>, %arg7: memref<80x16xf32, #tpu.memory_space<hbm>>, %arg8: memref<20000xi32, #tpu.memory_space<hbm>>, %arg9: memref<20000x128xf32, #tpu.memory_space<hbm>>, %arg10: memref<20000x16xf32, #tpu.memory_space<hbm>>, %arg11: memref<80xi32, #tpu.memory_space<vmem>>, %arg12: memref<5x80xi32, #tpu.memory_space<vmem>>, %arg13: memref<5x80xi32, #tpu.memory_space<vmem>>, %arg14: memref<80x128xf32, #tpu.memory_space<vmem>>, %arg15: memref<80x128xf32, #tpu.memory_space<vmem>>, %arg16: memref<400x16xf32, #tpu.memory_space<vmem>>, %arg17: memref<10000x128xf32, #tpu.memory_space<vmem_shared>>, %arg18: memref<10000x16xf32, #tpu.memory_space<vmem_shared>>, %arg19: memref<!tpu.dma_semaphore, #tpu.memory_space<semaphore_mem>>, %arg20: memref<!tpu.dma_semaphore, #tpu.memory_space<semaphore_mem>>, %arg21: memref<!tpu.dma_semaphore, #tpu.memory_space<semaphore_mem>>, %arg22: memref<!tpu.dma_semaphore, #tpu.memory_space<semaphore_mem>>) attributes {dimension_semantics = [#tpu.dimension_semantics<core_parallel>, #tpu.dimension_semantics<subcore_parallel>], iteration_bounds = array<i64: 2, 16>, scalar_prefetch = 0 : i64, scratch_operands = 12 : i64, tpu.core_type = #tpu.core_type<sc_vector_subcore>, window_params = [{transform_indices = #map}, {transform_indices = #map}, {transform_indices = #map}, {transform_indices = #map}, {transform_indices = #map}, {transform_indices = #map}, {transform_indices = #map1}, {transform_indices = #map}, {transform_indices = #map}]} {
    "tpu.region"() ({
      %run_scoped3A = tpu.sem_alloc : memref<!tpu.dma_semaphore, #tpu.memory_space<semaphore_mem>>
      tpu.enqueue_dma source(%arg6 : memref<80x128xf32, #tpu.memory_space<hbm>>) target(%arg14 : memref<80x128xf32, #tpu.memory_space<vmem>>) target_semaphore(%run_scoped3A : memref<!tpu.dma_semaphore, #tpu.memory_space<semaphore_mem>>)
      tpu.wait_dma2 semaphore(%run_scoped3A : memref<!tpu.dma_semaphore, #tpu.memory_space<semaphore_mem>>) src(%arg6 : memref<80x128xf32, #tpu.memory_space<hbm>>) dst(%arg14 : memref<80x128xf32, #tpu.memory_space<vmem>>)
      tpu.yield
    }) : () -> ()
    "tpu.region"() ({
      %run_scoped3A = tpu.sem_alloc : memref<!tpu.dma_semaphore, #tpu.memory_space<semaphore_mem>>
      %dma_start3A = arith.constant 0 : i32
      %dma_start3A_37 = arith.constant 0 : i32
      %dma_start3A_38 = tpu.memref_slice %arg16[%dma_start3A, %dma_start3A_37] : memref<400x16xf32, #tpu.memory_space<vmem>> -> memref<80x16xf32, #tpu.memory_space<vmem>>
      %dma_start3A_39 = arith.constant 0 : i32
      %dma_start3A_40 = arith.constant 0 : i32
      %dma_start3A_41 = tpu.memref_slice %arg16[%dma_start3A_39, %dma_start3A_40] : memref<400x16xf32, #tpu.memory_space<vmem>> -> memref<80x16xf32, #tpu.memory_space<vmem>>
      tpu.enqueue_dma source(%arg7 : memref<80x16xf32, #tpu.memory_space<hbm>>) target(%dma_start3A_41 : memref<80x16xf32, #tpu.memory_space<vmem>>) target_semaphore(%run_scoped3A : memref<!tpu.dma_semaphore, #tpu.memory_space<semaphore_mem>>)
      %dma_wait3A = arith.constant 0 : i32
      %dma_wait3A_42 = arith.constant 0 : i32
      %dma_wait3A_43 = tpu.memref_slice %arg16[%dma_wait3A, %dma_wait3A_42] : memref<400x16xf32, #tpu.memory_space<vmem>> -> memref<80x16xf32, #tpu.memory_space<vmem>>
      %dma_wait3A_44 = arith.constant 0 : i32
      %dma_wait3A_45 = arith.constant 0 : i32
      %dma_wait3A_46 = tpu.memref_slice %arg16[%dma_wait3A_44, %dma_wait3A_45] : memref<400x16xf32, #tpu.memory_space<vmem>> -> memref<80x16xf32, #tpu.memory_space<vmem>>
      tpu.wait_dma2 semaphore(%run_scoped3A : memref<!tpu.dma_semaphore, #tpu.memory_space<semaphore_mem>>) src(%arg7 : memref<80x16xf32, #tpu.memory_space<hbm>>) dst(%dma_wait3A_46 : memref<80x16xf32, #tpu.memory_space<vmem>>)
      tpu.yield
    }) : () -> ()
    %scan3A = arith.constant 0 : i32
    %scan3A_0 = arith.constant 0 : i32
    %scan3A_1 = arith.constant 8 : i32
    %scan3A_2 = arith.addi %scan3A_0, %scan3A_1 : i32
    %scan3A_3 = arith.constant 1 : i32
    scf.for %scan3A_37 = %scan3A_0 to %scan3A_2 step %scan3A_3  : i32 {
      %mul3A_38 = arith.constant 624 : i32
      %mul3A_39 = arith.muli %arg1, %mul3A_38 : i32
      %mul3A_40 = arith.constant 80 : i32
      %mul3A_41 = arith.muli %scan3A_37, %mul3A_40 : i32
      %add3A_42 = arith.addi %mul3A_39, %mul3A_41 : i32
      "tpu.region"() ({
        %run_scoped3A = tpu.sem_alloc : memref<!tpu.dma_semaphore, #tpu.memory_space<semaphore_mem>>
        %dma_start3A = tpu.memref_slice %arg8[%add3A_42] : memref<20000xi32, #tpu.memory_space<hbm>> -> memref<80xi32, #tpu.memory_space<hbm>>
        %dma_start3A_43 = tpu.memref_slice %arg8[%add3A_42] : memref<20000xi32, #tpu.memory_space<hbm>> -> memref<80xi32, #tpu.memory_space<hbm>>
        tpu.enqueue_dma source(%dma_start3A_43 : memref<80xi32, #tpu.memory_space<hbm>>) target(%arg11 : memref<80xi32, #tpu.memory_space<vmem>>) target_semaphore(%run_scoped3A : memref<!tpu.dma_semaphore, #tpu.memory_space<semaphore_mem>>)
        %dma_wait3A = tpu.memref_slice %arg8[%add3A_42] : memref<20000xi32, #tpu.memory_space<hbm>> -> memref<80xi32, #tpu.memory_space<hbm>>
        %dma_wait3A_44 = tpu.memref_slice %arg8[%add3A_42] : memref<20000xi32, #tpu.memory_space<hbm>> -> memref<80xi32, #tpu.memory_space<hbm>>
        tpu.wait_dma2 semaphore(%run_scoped3A : memref<!tpu.dma_semaphore, #tpu.memory_space<semaphore_mem>>) src(%dma_wait3A_44 : memref<80xi32, #tpu.memory_space<hbm>>) dst(%arg11 : memref<80xi32, #tpu.memory_space<vmem>>)
        tpu.yield
      }) : () -> ()
      "tpu.region"() ({
        %run_scoped3A = tpu.sem_alloc : memref<!tpu.dma_semaphore, #tpu.memory_space<semaphore_mem>>
        %dma_start3A = arith.constant 0 : i32
        %dma_start3A_43 = arith.constant 0 : i32
        %dma_start3A_44 = tpu.memref_slice %arg17[%dma_start3A, %dma_start3A_43] : memref<10000x128xf32, #tpu.memory_space<vmem_shared>> -> memref<10000x128xf32, #tpu.memory_space<vmem_shared>>
        tpu.enqueue_indirect_dma source(%arg14 : memref<80x128xf32, #tpu.memory_space<vmem>>) target(%dma_start3A_44 : memref<10000x128xf32, #tpu.memory_space<vmem_shared>>) offsets(%arg11 : memref<80xi32, #tpu.memory_space<vmem>>) semaphore(%run_scoped3A : memref<!tpu.dma_semaphore, #tpu.memory_space<semaphore_mem>>)
        %dma_wait3A = arith.constant 0 : i32
        %dma_wait3A_45 = arith.constant 0 : i32
        %dma_wait3A_46 = tpu.memref_slice %arg17[%dma_wait3A, %dma_wait3A_45] : memref<10000x128xf32, #tpu.memory_space<vmem_shared>> -> memref<10000x128xf32, #tpu.memory_space<vmem_shared>>
        tpu.wait_indirect_dma semaphore(%run_scoped3A : memref<!tpu.dma_semaphore, #tpu.memory_space<semaphore_mem>>) src(%arg14 : memref<80x128xf32, #tpu.memory_space<vmem>>) dst(%dma_wait3A_46 : memref<10000x128xf32, #tpu.memory_space<vmem_shared>>)
        tpu.yield
      }) : () -> ()
      "tpu.region"() ({
        %run_scoped3A = tpu.sem_alloc : memref<!tpu.dma_semaphore, #tpu.memory_space<semaphore_mem>>
        %dma_start3A = arith.constant 0 : i32
        %dma_start3A_43 = arith.constant 0 : i32
        %dma_start3A_44 = tpu.memref_slice %arg16[%dma_start3A, %dma_start3A_43] : memref<400x16xf32, #tpu.memory_space<vmem>> -> memref<80x16xf32, #tpu.memory_space<vmem>>
        %dma_start3A_45 = arith.constant 0 : i32
        %dma_start3A_46 = arith.constant 0 : i32
        %dma_start3A_47 = tpu.memref_slice %arg18[%dma_start3A_45, %dma_start3A_46] : memref<10000x16xf32, #tpu.memory_space<vmem_shared>> -> memref<10000x16xf32, #tpu.memory_space<vmem_shared>>
        tpu.enqueue_indirect_dma source(%dma_start3A_44 : memref<80x16xf32, #tpu.memory_space<vmem>>) target(%dma_start3A_47 : memref<10000x16xf32, #tpu.memory_space<vmem_shared>>) offsets(%arg11 : memref<80xi32, #tpu.memory_space<vmem>>) semaphore(%run_scoped3A : memref<!tpu.dma_semaphore, #tpu.memory_space<semaphore_mem>>)
        %dma_wait3A = arith.constant 0 : i32
        %dma_wait3A_48 = arith.constant 0 : i32
        %dma_wait3A_49 = tpu.memref_slice %arg16[%dma_wait3A, %dma_wait3A_48] : memref<400x16xf32, #tpu.memory_space<vmem>> -> memref<80x16xf32, #tpu.memory_space<vmem>>
        %dma_wait3A_50 = arith.constant 0 : i32
        %dma_wait3A_51 = arith.constant 0 : i32
        %dma_wait3A_52 = tpu.memref_slice %arg18[%dma_wait3A_50, %dma_wait3A_51] : memref<10000x16xf32, #tpu.memory_space<vmem_shared>> -> memref<10000x16xf32, #tpu.memory_space<vmem_shared>>
        tpu.wait_indirect_dma semaphore(%run_scoped3A : memref<!tpu.dma_semaphore, #tpu.memory_space<semaphore_mem>>) src(%dma_wait3A_49 : memref<80x16xf32, #tpu.memory_space<vmem>>) dst(%dma_wait3A_52 : memref<10000x16xf32, #tpu.memory_space<vmem_shared>>)
        tpu.yield
      }) : () -> ()
    }
    %scan3A_4 = arith.constant 8 : i32
    %barrier3A = arith.constant 0 : index
    tpu.barrier barrier_id(%barrier3A)
    %mul3A = arith.constant 160000 : i32
    %mul3A_5 = arith.muli %arg0, %mul3A : i32
    %mul3A_6 = arith.constant 10000 : i32
    %mul3A_7 = arith.muli %arg1, %mul3A_6 : i32
    %add3A = arith.addi %mul3A_5, %mul3A_7 : i32
    %jit3A = arith.constant 80 : i32
    %div3A = arith.divsi %add3A, %jit3A : i32
    %sign3A = arith.constant 0 : i32
    %sign3A_8 = arith.cmpi sgt, %add3A, %sign3A : i32
    %sign3A_9 = arith.extui %sign3A_8 : i1 to i32
    %sign3A_10 = arith.constant 0 : i32
    %sign3A_11 = arith.cmpi slt, %add3A, %sign3A_10 : i32
    %sign3A_12 = arith.extui %sign3A_11 : i1 to i32
    %sign3A_13 = arith.subi %sign3A_9, %sign3A_12 : i32
    %sign3A_14 = arith.constant 0 : i32
    %sign3A_15 = arith.cmpi sgt, %jit3A, %sign3A_14 : i32
    %sign3A_16 = arith.extui %sign3A_15 : i1 to i32
    %sign3A_17 = arith.constant 0 : i32
    %sign3A_18 = arith.cmpi slt, %jit3A, %sign3A_17 : i32
    %sign3A_19 = arith.extui %sign3A_18 : i1 to i32
    %sign3A_20 = arith.subi %sign3A_16, %sign3A_19 : i32
    %ne3A = arith.cmpi ne, %sign3A_13, %sign3A_20 : i32
    %rem3A = arith.remsi %add3A, %jit3A : i32
    %ne3A_21 = arith.constant 0 : i32
    %ne3A_22 = arith.cmpi ne, %rem3A, %ne3A_21 : i32
    %and3A = arith.andi %ne3A, %ne3A_22 : i1
    %sub3A = arith.constant 1 : i32
    %sub3A_23 = arith.subi %div3A, %sub3A : i32
    %select_n3A = arith.select %and3A, %sub3A_23, %div3A : i32
    %scan3A_24 = arith.constant 0 : i32
    %scan3A_25 = arith.constant 0 : i32
    %scan3A_26 = arith.constant 25 : i32
    %scan3A_27 = arith.addi %scan3A_25, %scan3A_26 : i32
    %scan3A_28 = arith.constant 1 : i32
    scf.for %scan3A_37 = %scan3A_25 to %scan3A_27 step %scan3A_28  : i32 {
      %mul3A_38 = arith.constant 5 : i32
      %mul3A_39 = arith.muli %scan3A_37, %mul3A_38 : i32
      %add3A_40 = arith.addi %select_n3A, %mul3A_39 : i32
      "tpu.region"() ({
        %run_scoped3A = tpu.sem_alloc : memref<!tpu.dma_semaphore, #tpu.memory_space<semaphore_mem>>
        %dma_start3A_281 = arith.constant 0 : i32
        %dma_start3A_282 = tpu.memref_slice %arg4[%add3A_40, %dma_start3A_281] : memref<4000x80xi32, #tpu.memory_space<hbm>> -> memref<5x80xi32, #tpu.memory_space<hbm>>
        %dma_start3A_283 = arith.constant 0 : i32
        %dma_start3A_284 = tpu.memref_slice %arg4[%add3A_40, %dma_start3A_283] : memref<4000x80xi32, #tpu.memory_space<hbm>> -> memref<5x80xi32, #tpu.memory_space<hbm>>
        tpu.enqueue_dma source(%dma_start3A_284 : memref<5x80xi32, #tpu.memory_space<hbm>>) target(%arg12 : memref<5x80xi32, #tpu.memory_space<vmem>>) target_semaphore(%run_scoped3A : memref<!tpu.dma_semaphore, #tpu.memory_space<semaphore_mem>>)
        %dma_wait3A_285 = arith.constant 0 : i32
        %dma_wait3A_286 = tpu.memref_slice %arg4[%add3A_40, %dma_wait3A_285] : memref<4000x80xi32, #tpu.memory_space<hbm>> -> memref<5x80xi32, #tpu.memory_space<hbm>>
        %dma_wait3A_287 = arith.constant 0 : i32
        %dma_wait3A_288 = tpu.memref_slice %arg4[%add3A_40, %dma_wait3A_287] : memref<4000x80xi32, #tpu.memory_space<hbm>> -> memref<5x80xi32, #tpu.memory_space<hbm>>
        tpu.wait_dma2 semaphore(%run_scoped3A : memref<!tpu.dma_semaphore, #tpu.memory_space<semaphore_mem>>) src(%dma_wait3A_288 : memref<5x80xi32, #tpu.memory_space<hbm>>) dst(%arg12 : memref<5x80xi32, #tpu.memory_space<vmem>>)
        tpu.yield
      }) : () -> ()
      "tpu.region"() ({
        %run_scoped3A = tpu.sem_alloc : memref<!tpu.dma_semaphore, #tpu.memory_space<semaphore_mem>>
        %dma_start3A_281 = arith.constant 0 : i32
        %dma_start3A_282 = tpu.memref_slice %arg5[%add3A_40, %dma_start3A_281] : memref<4000x80xi32, #tpu.memory_space<hbm>> -> memref<5x80xi32, #tpu.memory_space<hbm>>
        %dma_start3A_283 = arith.constant 0 : i32
        %dma_start3A_284 = tpu.memref_slice %arg5[%add3A_40, %dma_start3A_283] : memref<4000x80xi32, #tpu.memory_space<hbm>> -> memref<5x80xi32, #tpu.memory_space<hbm>>
        tpu.enqueue_dma source(%dma_start3A_284 : memref<5x80xi32, #tpu.memory_space<hbm>>) target(%arg13 : memref<5x80xi32, #tpu.memory_space<vmem>>) target_semaphore(%run_scoped3A : memref<!tpu.dma_semaphore, #tpu.memory_space<semaphore_mem>>)
        %dma_wait3A_285 = arith.constant 0 : i32
        %dma_wait3A_286 = tpu.memref_slice %arg5[%add3A_40, %dma_wait3A_285] : memref<4000x80xi32, #tpu.memory_space<hbm>> -> memref<5x80xi32, #tpu.memory_space<hbm>>
        %dma_wait3A_287 = arith.constant 0 : i32
        %dma_wait3A_288 = tpu.memref_slice %arg5[%add3A_40, %dma_wait3A_287] : memref<4000x80xi32, #tpu.memory_space<hbm>> -> memref<5x80xi32, #tpu.memory_space<hbm>>
        tpu.wait_dma2 semaphore(%run_scoped3A : memref<!tpu.dma_semaphore, #tpu.memory_space<semaphore_mem>>) src(%dma_wait3A_288 : memref<5x80xi32, #tpu.memory_space<hbm>>) dst(%arg13 : memref<5x80xi32, #tpu.memory_space<vmem>>)
        tpu.yield
      }) : () -> ()
      %mul3A_41 = arith.constant 80 : i32
      %mul3A_42 = arith.muli %add3A_40, %mul3A_41 : i32
      "tpu.region"() ({
        %run_scoped3A = tpu.sem_alloc : memref<!tpu.dma_semaphore, #tpu.memory_space<semaphore_mem>>
        %dma_start3A_281 = arith.constant 0 : i32
        %dma_start3A_282 = tpu.memref_slice %arg3[%mul3A_42, %dma_start3A_281] : memref<320000x16xf32, #tpu.memory_space<hbm>> -> memref<400x16xf32, #tpu.memory_space<hbm>>
        %dma_start3A_283 = arith.constant 0 : i32
        %dma_start3A_284 = tpu.memref_slice %arg3[%mul3A_42, %dma_start3A_283] : memref<320000x16xf32, #tpu.memory_space<hbm>> -> memref<400x16xf32, #tpu.memory_space<hbm>>
        tpu.enqueue_dma source(%dma_start3A_284 : memref<400x16xf32, #tpu.memory_space<hbm>>) target(%arg16 : memref<400x16xf32, #tpu.memory_space<vmem>>) target_semaphore(%run_scoped3A : memref<!tpu.dma_semaphore, #tpu.memory_space<semaphore_mem>>)
        %dma_wait3A_285 = arith.constant 0 : i32
        %dma_wait3A_286 = tpu.memref_slice %arg3[%mul3A_42, %dma_wait3A_285] : memref<320000x16xf32, #tpu.memory_space<hbm>> -> memref<400x16xf32, #tpu.memory_space<hbm>>
        %dma_wait3A_287 = arith.constant 0 : i32
        %dma_wait3A_288 = tpu.memref_slice %arg3[%mul3A_42, %dma_wait3A_287] : memref<320000x16xf32, #tpu.memory_space<hbm>> -> memref<400x16xf32, #tpu.memory_space<hbm>>
        tpu.wait_dma2 semaphore(%run_scoped3A : memref<!tpu.dma_semaphore, #tpu.memory_space<semaphore_mem>>) src(%dma_wait3A_288 : memref<400x16xf32, #tpu.memory_space<hbm>>) dst(%arg16 : memref<400x16xf32, #tpu.memory_space<vmem>>)
        tpu.yield
      }) : () -> ()
      %dma_start3A = arith.constant 0 : i32
      %dma_start3A_43 = arith.constant 0 : i32
      %dma_start3A_44 = tpu.memref_slice %arg12[%dma_start3A, %dma_start3A_43] : memref<5x80xi32, #tpu.memory_space<vmem>> -> memref<1x80xi32, #tpu.memory_space<vmem>>
      %dma_start3A_45 = tpu.memref_squeeze %dma_start3A_44 : memref<1x80xi32, #tpu.memory_space<vmem>> -> memref<80xi32, #tpu.memory_space<vmem>>
      %dma_start3A_46 = arith.constant 0 : i32
      %dma_start3A_47 = arith.constant 0 : i32
      %dma_start3A_48 = tpu.memref_slice %arg2[%dma_start3A_46, %dma_start3A_47] : memref<10000x128xf32, #tpu.memory_space<hbm>> -> memref<10000x128xf32, #tpu.memory_space<hbm>>
      tpu.enqueue_indirect_dma source(%dma_start3A_48 : memref<10000x128xf32, #tpu.memory_space<hbm>>) target(%arg14 : memref<80x128xf32, #tpu.memory_space<vmem>>) offsets(%dma_start3A_45 : memref<80xi32, #tpu.memory_space<vmem>>) semaphore(%arg19 : memref<!tpu.dma_semaphore, #tpu.memory_space<semaphore_mem>>)
      %dma_start3A_49 = arith.constant 1 : i32
      %dma_start3A_50 = arith.constant 0 : i32
      %dma_start3A_51 = tpu.memref_slice %arg12[%dma_start3A_49, %dma_start3A_50] : memref<5x80xi32, #tpu.memory_space<vmem>> -> memref<1x80xi32, #tpu.memory_space<vmem>>
      %dma_start3A_52 = tpu.memref_squeeze %dma_start3A_51 : memref<1x80xi32, #tpu.memory_space<vmem>> -> memref<80xi32, #tpu.memory_space<vmem>>
      %dma_start3A_53 = arith.constant 0 : i32
      %dma_start3A_54 = arith.constant 0 : i32
      %dma_start3A_55 = tpu.memref_slice %arg2[%dma_start3A_53, %dma_start3A_54] : memref<10000x128xf32, #tpu.memory_space<hbm>> -> memref<10000x128xf32, #tpu.memory_space<hbm>>
      tpu.enqueue_indirect_dma source(%dma_start3A_55 : memref<10000x128xf32, #tpu.memory_space<hbm>>) target(%arg15 : memref<80x128xf32, #tpu.memory_space<vmem>>) offsets(%dma_start3A_52 : memref<80xi32, #tpu.memory_space<vmem>>) semaphore(%arg20 : memref<!tpu.dma_semaphore, #tpu.memory_space<semaphore_mem>>)
      %dma_wait3A = arith.constant 0 : i32
      %dma_wait3A_56 = arith.constant 0 : i32
      %dma_wait3A_57 = tpu.memref_slice %arg12[%dma_wait3A, %dma_wait3A_56] : memref<5x80xi32, #tpu.memory_space<vmem>> -> memref<1x80xi32, #tpu.memory_space<vmem>>
      %dma_wait3A_58 = tpu.memref_squeeze %dma_wait3A_57 : memref<1x80xi32, #tpu.memory_space<vmem>> -> memref<80xi32, #tpu.memory_space<vmem>>
      %dma_wait3A_59 = arith.constant 0 : i32
      %dma_wait3A_60 = arith.constant 0 : i32
      %dma_wait3A_61 = tpu.memref_slice %arg2[%dma_wait3A_59, %dma_wait3A_60] : memref<10000x128xf32, #tpu.memory_space<hbm>> -> memref<10000x128xf32, #tpu.memory_space<hbm>>
      tpu.wait_indirect_dma semaphore(%arg19 : memref<!tpu.dma_semaphore, #tpu.memory_space<semaphore_mem>>) src(%dma_wait3A_61 : memref<10000x128xf32, #tpu.memory_space<hbm>>) dst(%arg14 : memref<80x128xf32, #tpu.memory_space<vmem>>)
      %dma_start3A_62 = arith.constant 0 : i32
      %dma_start3A_63 = arith.constant 0 : i32
      %dma_start3A_64 = tpu.memref_slice %arg13[%dma_start3A_62, %dma_start3A_63] : memref<5x80xi32, #tpu.memory_space<vmem>> -> memref<1x80xi32, #tpu.memory_space<vmem>>
      %dma_start3A_65 = tpu.memref_squeeze %dma_start3A_64 : memref<1x80xi32, #tpu.memory_space<vmem>> -> memref<80xi32, #tpu.memory_space<vmem>>
      %dma_start3A_66 = arith.constant 0 : i32
      %dma_start3A_67 = arith.constant 0 : i32
      %dma_start3A_68 = tpu.memref_slice %arg17[%dma_start3A_66, %dma_start3A_67] : memref<10000x128xf32, #tpu.memory_space<vmem_shared>> -> memref<10000x128xf32, #tpu.memory_space<vmem_shared>>
      tpu.enqueue_indirect_dma source(%arg14 : memref<80x128xf32, #tpu.memory_space<vmem>>) target(%dma_start3A_68 : memref<10000x128xf32, #tpu.memory_space<vmem_shared>>) offsets(%dma_start3A_65 : memref<80xi32, #tpu.memory_space<vmem>>) semaphore(%arg21 : memref<!tpu.dma_semaphore, #tpu.memory_space<semaphore_mem>>) {add = true}
      %dma_start3A_69 = arith.constant 0 : i32
      %dma_start3A_70 = arith.constant 0 : i32
      %dma_start3A_71 = arith.constant 0 : i32
      %dma_start3A_72 = tpu.memref_slice %arg16[%dma_start3A_70, %dma_start3A_71] : memref<400x16xf32, #tpu.memory_space<vmem>> -> memref<80x16xf32, #tpu.memory_space<vmem>>
      %dma_start3A_73 = arith.constant 0 : i32
      %dma_start3A_74 = tpu.memref_slice %arg13[%dma_start3A_69, %dma_start3A_73] : memref<5x80xi32, #tpu.memory_space<vmem>> -> memref<1x80xi32, #tpu.memory_space<vmem>>
      %dma_start3A_75 = tpu.memref_squeeze %dma_start3A_74 : memref<1x80xi32, #tpu.memory_space<vmem>> -> memref<80xi32, #tpu.memory_space<vmem>>
      %dma_start3A_76 = arith.constant 0 : i32
      %dma_start3A_77 = arith.constant 0 : i32
      %dma_start3A_78 = tpu.memref_slice %arg18[%dma_start3A_76, %dma_start3A_77] : memref<10000x16xf32, #tpu.memory_space<vmem_shared>> -> memref<10000x16xf32, #tpu.memory_space<vmem_shared>>
      tpu.enqueue_indirect_dma source(%dma_start3A_72 : memref<80x16xf32, #tpu.memory_space<vmem>>) target(%dma_start3A_78 : memref<10000x16xf32, #tpu.memory_space<vmem_shared>>) offsets(%dma_start3A_75 : memref<80xi32, #tpu.memory_space<vmem>>) semaphore(%arg21 : memref<!tpu.dma_semaphore, #tpu.memory_space<semaphore_mem>>) {add = true}
      %dma_wait3A_79 = arith.constant 0 : i32
      %dma_wait3A_80 = arith.constant 0 : i32
      %dma_wait3A_81 = tpu.memref_slice %arg13[%dma_wait3A_79, %dma_wait3A_80] : memref<5x80xi32, #tpu.memory_space<vmem>> -> memref<1x80xi32, #tpu.memory_space<vmem>>
      %dma_wait3A_82 = tpu.memref_squeeze %dma_wait3A_81 : memref<1x80xi32, #tpu.memory_space<vmem>> -> memref<80xi32, #tpu.memory_space<vmem>>
      %dma_wait3A_83 = arith.constant 0 : i32
      %dma_wait3A_84 = arith.constant 0 : i32
      %dma_wait3A_85 = tpu.memref_slice %arg17[%dma_wait3A_83, %dma_wait3A_84] : memref<10000x128xf32, #tpu.memory_space<vmem_shared>> -> memref<10000x128xf32, #tpu.memory_space<vmem_shared>>
      tpu.wait_indirect_dma semaphore(%arg21 : memref<!tpu.dma_semaphore, #tpu.memory_space<semaphore_mem>>) src(%arg14 : memref<80x128xf32, #tpu.memory_space<vmem>>) dst(%dma_wait3A_85 : memref<10000x128xf32, #tpu.memory_space<vmem_shared>>)
      %dma_wait3A_86 = arith.constant 0 : i32
      %dma_wait3A_87 = arith.constant 0 : i32
      %dma_wait3A_88 = arith.constant 0 : i32
      %dma_wait3A_89 = tpu.memref_slice %arg16[%dma_wait3A_87, %dma_wait3A_88] : memref<400x16xf32, #tpu.memory_space<vmem>> -> memref<80x16xf32, #tpu.memory_space<vmem>>
      %dma_wait3A_90 = arith.constant 0 : i32
      %dma_wait3A_91 = tpu.memref_slice %arg13[%dma_wait3A_86, %dma_wait3A_90] : memref<5x80xi32, #tpu.memory_space<vmem>> -> memref<1x80xi32, #tpu.memory_space<vmem>>
      %dma_wait3A_92 = tpu.memref_squeeze %dma_wait3A_91 : memref<1x80xi32, #tpu.memory_space<vmem>> -> memref<80xi32, #tpu.memory_space<vmem>>
      %dma_wait3A_93 = arith.constant 0 : i32
      %dma_wait3A_94 = arith.constant 0 : i32
      %dma_wait3A_95 = tpu.memref_slice %arg18[%dma_wait3A_93, %dma_wait3A_94] : memref<10000x16xf32, #tpu.memory_space<vmem_shared>> -> memref<10000x16xf32, #tpu.memory_space<vmem_shared>>
      tpu.wait_indirect_dma semaphore(%arg21 : memref<!tpu.dma_semaphore, #tpu.memory_space<semaphore_mem>>) src(%dma_wait3A_89 : memref<80x16xf32, #tpu.memory_space<vmem>>) dst(%dma_wait3A_95 : memref<10000x16xf32, #tpu.memory_space<vmem_shared>>)
      %dma_start3A_96 = arith.constant 2 : i32
      %dma_start3A_97 = arith.constant 0 : i32
      %dma_start3A_98 = tpu.memref_slice %arg12[%dma_start3A_96, %dma_start3A_97] : memref<5x80xi32, #tpu.memory_space<vmem>> -> memref<1x80xi32, #tpu.memory_space<vmem>>
      %dma_start3A_99 = tpu.memref_squeeze %dma_start3A_98 : memref<1x80xi32, #tpu.memory_space<vmem>> -> memref<80xi32, #tpu.memory_space<vmem>>
      %dma_start3A_100 = arith.constant 0 : i32
      %dma_start3A_101 = arith.constant 0 : i32
      %dma_start3A_102 = tpu.memref_slice %arg2[%dma_start3A_100, %dma_start3A_101] : memref<10000x128xf32, #tpu.memory_space<hbm>> -> memref<10000x128xf32, #tpu.memory_space<hbm>>
      tpu.enqueue_indirect_dma source(%dma_start3A_102 : memref<10000x128xf32, #tpu.memory_space<hbm>>) target(%arg14 : memref<80x128xf32, #tpu.memory_space<vmem>>) offsets(%dma_start3A_99 : memref<80xi32, #tpu.memory_space<vmem>>) semaphore(%arg19 : memref<!tpu.dma_semaphore, #tpu.memory_space<semaphore_mem>>)
      %dma_wait3A_103 = arith.constant 1 : i32
      %dma_wait3A_104 = arith.constant 0 : i32
      %dma_wait3A_105 = tpu.memref_slice %arg12[%dma_wait3A_103, %dma_wait3A_104] : memref<5x80xi32, #tpu.memory_space<vmem>> -> memref<1x80xi32, #tpu.memory_space<vmem>>
      %dma_wait3A_106 = tpu.memref_squeeze %dma_wait3A_105 : memref<1x80xi32, #tpu.memory_space<vmem>> -> memref<80xi32, #tpu.memory_space<vmem>>
      %dma_wait3A_107 = arith.constant 0 : i32
      %dma_wait3A_108 = arith.constant 0 : i32
      %dma_wait3A_109 = tpu.memref_slice %arg2[%dma_wait3A_107, %dma_wait3A_108] : memref<10000x128xf32, #tpu.memory_space<hbm>> -> memref<10000x128xf32, #tpu.memory_space<hbm>>
      tpu.wait_indirect_dma semaphore(%arg20 : memref<!tpu.dma_semaphore, #tpu.memory_space<semaphore_mem>>) src(%dma_wait3A_109 : memref<10000x128xf32, #tpu.memory_space<hbm>>) dst(%arg15 : memref<80x128xf32, #tpu.memory_space<vmem>>)
      %dma_start3A_110 = arith.constant 1 : i32
      %dma_start3A_111 = arith.constant 0 : i32
      %dma_start3A_112 = tpu.memref_slice %arg13[%dma_start3A_110, %dma_start3A_111] : memref<5x80xi32, #tpu.memory_space<vmem>> -> memref<1x80xi32, #tpu.memory_space<vmem>>
      %dma_start3A_113 = tpu.memref_squeeze %dma_start3A_112 : memref<1x80xi32, #tpu.memory_space<vmem>> -> memref<80xi32, #tpu.memory_space<vmem>>
      %dma_start3A_114 = arith.constant 0 : i32
      %dma_start3A_115 = arith.constant 0 : i32
      %dma_start3A_116 = tpu.memref_slice %arg17[%dma_start3A_114, %dma_start3A_115] : memref<10000x128xf32, #tpu.memory_space<vmem_shared>> -> memref<10000x128xf32, #tpu.memory_space<vmem_shared>>
      tpu.enqueue_indirect_dma source(%arg15 : memref<80x128xf32, #tpu.memory_space<vmem>>) target(%dma_start3A_116 : memref<10000x128xf32, #tpu.memory_space<vmem_shared>>) offsets(%dma_start3A_113 : memref<80xi32, #tpu.memory_space<vmem>>) semaphore(%arg22 : memref<!tpu.dma_semaphore, #tpu.memory_space<semaphore_mem>>) {add = true}
      %dma_start3A_117 = arith.constant 1 : i32
      %dma_start3A_118 = arith.constant 80 : i32
      %dma_start3A_119 = arith.constant 0 : i32
      %dma_start3A_120 = tpu.memref_slice %arg16[%dma_start3A_118, %dma_start3A_119] : memref<400x16xf32, #tpu.memory_space<vmem>> -> memref<80x16xf32, #tpu.memory_space<vmem>>
      %dma_start3A_121 = arith.constant 0 : i32
      %dma_start3A_122 = tpu.memref_slice %arg13[%dma_start3A_117, %dma_start3A_121] : memref<5x80xi32, #tpu.memory_space<vmem>> -> memref<1x80xi32, #tpu.memory_space<vmem>>
      %dma_start3A_123 = tpu.memref_squeeze %dma_start3A_122 : memref<1x80xi32, #tpu.memory_space<vmem>> -> memref<80xi32, #tpu.memory_space<vmem>>
      %dma_start3A_124 = arith.constant 0 : i32
      %dma_start3A_125 = arith.constant 0 : i32
      %dma_start3A_126 = tpu.memref_slice %arg18[%dma_start3A_124, %dma_start3A_125] : memref<10000x16xf32, #tpu.memory_space<vmem_shared>> -> memref<10000x16xf32, #tpu.memory_space<vmem_shared>>
      tpu.enqueue_indirect_dma source(%dma_start3A_120 : memref<80x16xf32, #tpu.memory_space<vmem>>) target(%dma_start3A_126 : memref<10000x16xf32, #tpu.memory_space<vmem_shared>>) offsets(%dma_start3A_123 : memref<80xi32, #tpu.memory_space<vmem>>) semaphore(%arg22 : memref<!tpu.dma_semaphore, #tpu.memory_space<semaphore_mem>>) {add = true}
      %dma_wait3A_127 = arith.constant 1 : i32
      %dma_wait3A_128 = arith.constant 0 : i32
      %dma_wait3A_129 = tpu.memref_slice %arg13[%dma_wait3A_127, %dma_wait3A_128] : memref<5x80xi32, #tpu.memory_space<vmem>> -> memref<1x80xi32, #tpu.memory_space<vmem>>
      %dma_wait3A_130 = tpu.memref_squeeze %dma_wait3A_129 : memref<1x80xi32, #tpu.memory_space<vmem>> -> memref<80xi32, #tpu.memory_space<vmem>>
      %dma_wait3A_131 = arith.constant 0 : i32
      %dma_wait3A_132 = arith.constant 0 : i32
      %dma_wait3A_133 = tpu.memref_slice %arg17[%dma_wait3A_131, %dma_wait3A_132] : memref<10000x128xf32, #tpu.memory_space<vmem_shared>> -> memref<10000x128xf32, #tpu.memory_space<vmem_shared>>
      tpu.wait_indirect_dma semaphore(%arg22 : memref<!tpu.dma_semaphore, #tpu.memory_space<semaphore_mem>>) src(%arg15 : memref<80x128xf32, #tpu.memory_space<vmem>>) dst(%dma_wait3A_133 : memref<10000x128xf32, #tpu.memory_space<vmem_shared>>)
      %dma_wait3A_134 = arith.constant 1 : i32
      %dma_wait3A_135 = arith.constant 80 : i32
      %dma_wait3A_136 = arith.constant 0 : i32
      %dma_wait3A_137 = tpu.memref_slice %arg16[%dma_wait3A_135, %dma_wait3A_136] : memref<400x16xf32, #tpu.memory_space<vmem>> -> memref<80x16xf32, #tpu.memory_space<vmem>>
      %dma_wait3A_138 = arith.constant 0 : i32
      %dma_wait3A_139 = tpu.memref_slice %arg13[%dma_wait3A_134, %dma_wait3A_138] : memref<5x80xi32, #tpu.memory_space<vmem>> -> memref<1x80xi32, #tpu.memory_space<vmem>>
      %dma_wait3A_140 = tpu.memref_squeeze %dma_wait3A_139 : memref<1x80xi32, #tpu.memory_space<vmem>> -> memref<80xi32, #tpu.memory_space<vmem>>
      %dma_wait3A_141 = arith.constant 0 : i32
      %dma_wait3A_142 = arith.constant 0 : i32
      %dma_wait3A_143 = tpu.memref_slice %arg18[%dma_wait3A_141, %dma_wait3A_142] : memref<10000x16xf32, #tpu.memory_space<vmem_shared>> -> memref<10000x16xf32, #tpu.memory_space<vmem_shared>>
      tpu.wait_indirect_dma semaphore(%arg22 : memref<!tpu.dma_semaphore, #tpu.memory_space<semaphore_mem>>) src(%dma_wait3A_137 : memref<80x16xf32, #tpu.memory_space<vmem>>) dst(%dma_wait3A_143 : memref<10000x16xf32, #tpu.memory_space<vmem_shared>>)
      %dma_start3A_144 = arith.constant 3 : i32
      %dma_start3A_145 = arith.constant 0 : i32
      %dma_start3A_146 = tpu.memref_slice %arg12[%dma_start3A_144, %dma_start3A_145] : memref<5x80xi32, #tpu.memory_space<vmem>> -> memref<1x80xi32, #tpu.memory_space<vmem>>
      %dma_start3A_147 = tpu.memref_squeeze %dma_start3A_146 : memref<1x80xi32, #tpu.memory_space<vmem>> -> memref<80xi32, #tpu.memory_space<vmem>>
      %dma_start3A_148 = arith.constant 0 : i32
      %dma_start3A_149 = arith.constant 0 : i32
      %dma_start3A_150 = tpu.memref_slice %arg2[%dma_start3A_148, %dma_start3A_149] : memref<10000x128xf32, #tpu.memory_space<hbm>> -> memref<10000x128xf32, #tpu.memory_space<hbm>>
      tpu.enqueue_indirect_dma source(%dma_start3A_150 : memref<10000x128xf32, #tpu.memory_space<hbm>>) target(%arg15 : memref<80x128xf32, #tpu.memory_space<vmem>>) offsets(%dma_start3A_147 : memref<80xi32, #tpu.memory_space<vmem>>) semaphore(%arg20 : memref<!tpu.dma_semaphore, #tpu.memory_space<semaphore_mem>>)
      %dma_wait3A_151 = arith.constant 2 : i32
      %dma_wait3A_152 = arith.constant 0 : i32
      %dma_wait3A_153 = tpu.memref_slice %arg12[%dma_wait3A_151, %dma_wait3A_152] : memref<5x80xi32, #tpu.memory_space<vmem>> -> memref<1x80xi32, #tpu.memory_space<vmem>>
      %dma_wait3A_154 = tpu.memref_squeeze %dma_wait3A_153 : memref<1x80xi32, #tpu.memory_space<vmem>> -> memref<80xi32, #tpu.memory_space<vmem>>
      %dma_wait3A_155 = arith.constant 0 : i32
      %dma_wait3A_156 = arith.constant 0 : i32
      %dma_wait3A_157 = tpu.memref_slice %arg2[%dma_wait3A_155, %dma_wait3A_156] : memref<10000x128xf32, #tpu.memory_space<hbm>> -> memref<10000x128xf32, #tpu.memory_space<hbm>>
      tpu.wait_indirect_dma semaphore(%arg19 : memref<!tpu.dma_semaphore, #tpu.memory_space<semaphore_mem>>) src(%dma_wait3A_157 : memref<10000x128xf32, #tpu.memory_space<hbm>>) dst(%arg14 : memref<80x128xf32, #tpu.memory_space<vmem>>)
      %dma_start3A_158 = arith.constant 2 : i32
      %dma_start3A_159 = arith.constant 0 : i32
      %dma_start3A_160 = tpu.memref_slice %arg13[%dma_start3A_158, %dma_start3A_159] : memref<5x80xi32, #tpu.memory_space<vmem>> -> memref<1x80xi32, #tpu.memory_space<vmem>>
      %dma_start3A_161 = tpu.memref_squeeze %dma_start3A_160 : memref<1x80xi32, #tpu.memory_space<vmem>> -> memref<80xi32, #tpu.memory_space<vmem>>
      %dma_start3A_162 = arith.constant 0 : i32
      %dma_start3A_163 = arith.constant 0 : i32
      %dma_start3A_164 = tpu.memref_slice %arg17[%dma_start3A_162, %dma_start3A_163] : memref<10000x128xf32, #tpu.memory_space<vmem_shared>> -> memref<10000x128xf32, #tpu.memory_space<vmem_shared>>
      tpu.enqueue_indirect_dma source(%arg14 : memref<80x128xf32, #tpu.memory_space<vmem>>) target(%dma_start3A_164 : memref<10000x128xf32, #tpu.memory_space<vmem_shared>>) offsets(%dma_start3A_161 : memref<80xi32, #tpu.memory_space<vmem>>) semaphore(%arg21 : memref<!tpu.dma_semaphore, #tpu.memory_space<semaphore_mem>>) {add = true}
      %dma_start3A_165 = arith.constant 2 : i32
      %dma_start3A_166 = arith.constant 160 : i32
      %dma_start3A_167 = arith.constant 0 : i32
      %dma_start3A_168 = tpu.memref_slice %arg16[%dma_start3A_166, %dma_start3A_167] : memref<400x16xf32, #tpu.memory_space<vmem>> -> memref<80x16xf32, #tpu.memory_space<vmem>>
      %dma_start3A_169 = arith.constant 0 : i32
      %dma_start3A_170 = tpu.memref_slice %arg13[%dma_start3A_165, %dma_start3A_169] : memref<5x80xi32, #tpu.memory_space<vmem>> -> memref<1x80xi32, #tpu.memory_space<vmem>>
      %dma_start3A_171 = tpu.memref_squeeze %dma_start3A_170 : memref<1x80xi32, #tpu.memory_space<vmem>> -> memref<80xi32, #tpu.memory_space<vmem>>
      %dma_start3A_172 = arith.constant 0 : i32
      %dma_start3A_173 = arith.constant 0 : i32
      %dma_start3A_174 = tpu.memref_slice %arg18[%dma_start3A_172, %dma_start3A_173] : memref<10000x16xf32, #tpu.memory_space<vmem_shared>> -> memref<10000x16xf32, #tpu.memory_space<vmem_shared>>
      tpu.enqueue_indirect_dma source(%dma_start3A_168 : memref<80x16xf32, #tpu.memory_space<vmem>>) target(%dma_start3A_174 : memref<10000x16xf32, #tpu.memory_space<vmem_shared>>) offsets(%dma_start3A_171 : memref<80xi32, #tpu.memory_space<vmem>>) semaphore(%arg21 : memref<!tpu.dma_semaphore, #tpu.memory_space<semaphore_mem>>) {add = true}
      %dma_wait3A_175 = arith.constant 2 : i32
      %dma_wait3A_176 = arith.constant 0 : i32
      %dma_wait3A_177 = tpu.memref_slice %arg13[%dma_wait3A_175, %dma_wait3A_176] : memref<5x80xi32, #tpu.memory_space<vmem>> -> memref<1x80xi32, #tpu.memory_space<vmem>>
      %dma_wait3A_178 = tpu.memref_squeeze %dma_wait3A_177 : memref<1x80xi32, #tpu.memory_space<vmem>> -> memref<80xi32, #tpu.memory_space<vmem>>
      %dma_wait3A_179 = arith.constant 0 : i32
      %dma_wait3A_180 = arith.constant 0 : i32
      %dma_wait3A_181 = tpu.memref_slice %arg17[%dma_wait3A_179, %dma_wait3A_180] : memref<10000x128xf32, #tpu.memory_space<vmem_shared>> -> memref<10000x128xf32, #tpu.memory_space<vmem_shared>>
      tpu.wait_indirect_dma semaphore(%arg21 : memref<!tpu.dma_semaphore, #tpu.memory_space<semaphore_mem>>) src(%arg14 : memref<80x128xf32, #tpu.memory_space<vmem>>) dst(%dma_wait3A_181 : memref<10000x128xf32, #tpu.memory_space<vmem_shared>>)
      %dma_wait3A_182 = arith.constant 2 : i32
      %dma_wait3A_183 = arith.constant 160 : i32
      %dma_wait3A_184 = arith.constant 0 : i32
      %dma_wait3A_185 = tpu.memref_slice %arg16[%dma_wait3A_183, %dma_wait3A_184] : memref<400x16xf32, #tpu.memory_space<vmem>> -> memref<80x16xf32, #tpu.memory_space<vmem>>
      %dma_wait3A_186 = arith.constant 0 : i32
      %dma_wait3A_187 = tpu.memref_slice %arg13[%dma_wait3A_182, %dma_wait3A_186] : memref<5x80xi32, #tpu.memory_space<vmem>> -> memref<1x80xi32, #tpu.memory_space<vmem>>
      %dma_wait3A_188 = tpu.memref_squeeze %dma_wait3A_187 : memref<1x80xi32, #tpu.memory_space<vmem>> -> memref<80xi32, #tpu.memory_space<vmem>>
      %dma_wait3A_189 = arith.constant 0 : i32
      %dma_wait3A_190 = arith.constant 0 : i32
      %dma_wait3A_191 = tpu.memref_slice %arg18[%dma_wait3A_189, %dma_wait3A_190] : memref<10000x16xf32, #tpu.memory_space<vmem_shared>> -> memref<10000x16xf32, #tpu.memory_space<vmem_shared>>
      tpu.wait_indirect_dma semaphore(%arg21 : memref<!tpu.dma_semaphore, #tpu.memory_space<semaphore_mem>>) src(%dma_wait3A_185 : memref<80x16xf32, #tpu.memory_space<vmem>>) dst(%dma_wait3A_191 : memref<10000x16xf32, #tpu.memory_space<vmem_shared>>)
      %dma_start3A_192 = arith.constant 4 : i32
      %dma_start3A_193 = arith.constant 0 : i32
      %dma_start3A_194 = tpu.memref_slice %arg12[%dma_start3A_192, %dma_start3A_193] : memref<5x80xi32, #tpu.memory_space<vmem>> -> memref<1x80xi32, #tpu.memory_space<vmem>>
      %dma_start3A_195 = tpu.memref_squeeze %dma_start3A_194 : memref<1x80xi32, #tpu.memory_space<vmem>> -> memref<80xi32, #tpu.memory_space<vmem>>
      %dma_start3A_196 = arith.constant 0 : i32
      %dma_start3A_197 = arith.constant 0 : i32
      %dma_start3A_198 = tpu.memref_slice %arg2[%dma_start3A_196, %dma_start3A_197] : memref<10000x128xf32, #tpu.memory_space<hbm>> -> memref<10000x128xf32, #tpu.memory_space<hbm>>
      tpu.enqueue_indirect_dma source(%dma_start3A_198 : memref<10000x128xf32, #tpu.memory_space<hbm>>) target(%arg14 : memref<80x128xf32, #tpu.memory_space<vmem>>) offsets(%dma_start3A_195 : memref<80xi32, #tpu.memory_space<vmem>>) semaphore(%arg19 : memref<!tpu.dma_semaphore, #tpu.memory_space<semaphore_mem>>)
      %dma_wait3A_199 = arith.constant 3 : i32
      %dma_wait3A_200 = arith.constant 0 : i32
      %dma_wait3A_201 = tpu.memref_slice %arg12[%dma_wait3A_199, %dma_wait3A_200] : memref<5x80xi32, #tpu.memory_space<vmem>> -> memref<1x80xi32, #tpu.memory_space<vmem>>
      %dma_wait3A_202 = tpu.memref_squeeze %dma_wait3A_201 : memref<1x80xi32, #tpu.memory_space<vmem>> -> memref<80xi32, #tpu.memory_space<vmem>>
      %dma_wait3A_203 = arith.constant 0 : i32
      %dma_wait3A_204 = arith.constant 0 : i32
      %dma_wait3A_205 = tpu.memref_slice %arg2[%dma_wait3A_203, %dma_wait3A_204] : memref<10000x128xf32, #tpu.memory_space<hbm>> -> memref<10000x128xf32, #tpu.memory_space<hbm>>
      tpu.wait_indirect_dma semaphore(%arg20 : memref<!tpu.dma_semaphore, #tpu.memory_space<semaphore_mem>>) src(%dma_wait3A_205 : memref<10000x128xf32, #tpu.memory_space<hbm>>) dst(%arg15 : memref<80x128xf32, #tpu.memory_space<vmem>>)
      %dma_start3A_206 = arith.constant 3 : i32
      %dma_start3A_207 = arith.constant 0 : i32
      %dma_start3A_208 = tpu.memref_slice %arg13[%dma_start3A_206, %dma_start3A_207] : memref<5x80xi32, #tpu.memory_space<vmem>> -> memref<1x80xi32, #tpu.memory_space<vmem>>
      %dma_start3A_209 = tpu.memref_squeeze %dma_start3A_208 : memref<1x80xi32, #tpu.memory_space<vmem>> -> memref<80xi32, #tpu.memory_space<vmem>>
      %dma_start3A_210 = arith.constant 0 : i32
      %dma_start3A_211 = arith.constant 0 : i32
      %dma_start3A_212 = tpu.memref_slice %arg17[%dma_start3A_210, %dma_start3A_211] : memref<10000x128xf32, #tpu.memory_space<vmem_shared>> -> memref<10000x128xf32, #tpu.memory_space<vmem_shared>>
      tpu.enqueue_indirect_dma source(%arg15 : memref<80x128xf32, #tpu.memory_space<vmem>>) target(%dma_start3A_212 : memref<10000x128xf32, #tpu.memory_space<vmem_shared>>) offsets(%dma_start3A_209 : memref<80xi32, #tpu.memory_space<vmem>>) semaphore(%arg22 : memref<!tpu.dma_semaphore, #tpu.memory_space<semaphore_mem>>) {add = true}
      %dma_start3A_213 = arith.constant 3 : i32
      %dma_start3A_214 = arith.constant 240 : i32
      %dma_start3A_215 = arith.constant 0 : i32
      %dma_start3A_216 = tpu.memref_slice %arg16[%dma_start3A_214, %dma_start3A_215] : memref<400x16xf32, #tpu.memory_space<vmem>> -> memref<80x16xf32, #tpu.memory_space<vmem>>
      %dma_start3A_217 = arith.constant 0 : i32
      %dma_start3A_218 = tpu.memref_slice %arg13[%dma_start3A_213, %dma_start3A_217] : memref<5x80xi32, #tpu.memory_space<vmem>> -> memref<1x80xi32, #tpu.memory_space<vmem>>
      %dma_start3A_219 = tpu.memref_squeeze %dma_start3A_218 : memref<1x80xi32, #tpu.memory_space<vmem>> -> memref<80xi32, #tpu.memory_space<vmem>>
      %dma_start3A_220 = arith.constant 0 : i32
      %dma_start3A_221 = arith.constant 0 : i32
      %dma_start3A_222 = tpu.memref_slice %arg18[%dma_start3A_220, %dma_start3A_221] : memref<10000x16xf32, #tpu.memory_space<vmem_shared>> -> memref<10000x16xf32, #tpu.memory_space<vmem_shared>>
      tpu.enqueue_indirect_dma source(%dma_start3A_216 : memref<80x16xf32, #tpu.memory_space<vmem>>) target(%dma_start3A_222 : memref<10000x16xf32, #tpu.memory_space<vmem_shared>>) offsets(%dma_start3A_219 : memref<80xi32, #tpu.memory_space<vmem>>) semaphore(%arg22 : memref<!tpu.dma_semaphore, #tpu.memory_space<semaphore_mem>>) {add = true}
      %dma_wait3A_223 = arith.constant 3 : i32
      %dma_wait3A_224 = arith.constant 0 : i32
      %dma_wait3A_225 = tpu.memref_slice %arg13[%dma_wait3A_223, %dma_wait3A_224] : memref<5x80xi32, #tpu.memory_space<vmem>> -> memref<1x80xi32, #tpu.memory_space<vmem>>
      %dma_wait3A_226 = tpu.memref_squeeze %dma_wait3A_225 : memref<1x80xi32, #tpu.memory_space<vmem>> -> memref<80xi32, #tpu.memory_space<vmem>>
      %dma_wait3A_227 = arith.constant 0 : i32
      %dma_wait3A_228 = arith.constant 0 : i32
      %dma_wait3A_229 = tpu.memref_slice %arg17[%dma_wait3A_227, %dma_wait3A_228] : memref<10000x128xf32, #tpu.memory_space<vmem_shared>> -> memref<10000x128xf32, #tpu.memory_space<vmem_shared>>
      tpu.wait_indirect_dma semaphore(%arg22 : memref<!tpu.dma_semaphore, #tpu.memory_space<semaphore_mem>>) src(%arg15 : memref<80x128xf32, #tpu.memory_space<vmem>>) dst(%dma_wait3A_229 : memref<10000x128xf32, #tpu.memory_space<vmem_shared>>)
      %dma_wait3A_230 = arith.constant 3 : i32
      %dma_wait3A_231 = arith.constant 240 : i32
      %dma_wait3A_232 = arith.constant 0 : i32
      %dma_wait3A_233 = tpu.memref_slice %arg16[%dma_wait3A_231, %dma_wait3A_232] : memref<400x16xf32, #tpu.memory_space<vmem>> -> memref<80x16xf32, #tpu.memory_space<vmem>>
      %dma_wait3A_234 = arith.constant 0 : i32
      %dma_wait3A_235 = tpu.memref_slice %arg13[%dma_wait3A_230, %dma_wait3A_234] : memref<5x80xi32, #tpu.memory_space<vmem>> -> memref<1x80xi32, #tpu.memory_space<vmem>>
      %dma_wait3A_236 = tpu.memref_squeeze %dma_wait3A_235 : memref<1x80xi32, #tpu.memory_space<vmem>> -> memref<80xi32, #tpu.memory_space<vmem>>
      %dma_wait3A_237 = arith.constant 0 : i32
      %dma_wait3A_238 = arith.constant 0 : i32
      %dma_wait3A_239 = tpu.memref_slice %arg18[%dma_wait3A_237, %dma_wait3A_238] : memref<10000x16xf32, #tpu.memory_space<vmem_shared>> -> memref<10000x16xf32, #tpu.memory_space<vmem_shared>>
      tpu.wait_indirect_dma semaphore(%arg22 : memref<!tpu.dma_semaphore, #tpu.memory_space<semaphore_mem>>) src(%dma_wait3A_233 : memref<80x16xf32, #tpu.memory_space<vmem>>) dst(%dma_wait3A_239 : memref<10000x16xf32, #tpu.memory_space<vmem_shared>>)
      %dma_wait3A_240 = arith.constant 4 : i32
      %dma_wait3A_241 = arith.constant 0 : i32
      %dma_wait3A_242 = tpu.memref_slice %arg12[%dma_wait3A_240, %dma_wait3A_241] : memref<5x80xi32, #tpu.memory_space<vmem>> -> memref<1x80xi32, #tpu.memory_space<vmem>>
      %dma_wait3A_243 = tpu.memref_squeeze %dma_wait3A_242 : memref<1x80xi32, #tpu.memory_space<vmem>> -> memref<80xi32, #tpu.memory_space<vmem>>
      %dma_wait3A_244 = arith.constant 0 : i32
      %dma_wait3A_245 = arith.constant 0 : i32
      %dma_wait3A_246 = tpu.memref_slice %arg2[%dma_wait3A_244, %dma_wait3A_245] : memref<10000x128xf32, #tpu.memory_space<hbm>> -> memref<10000x128xf32, #tpu.memory_space<hbm>>
      tpu.wait_indirect_dma semaphore(%arg19 : memref<!tpu.dma_semaphore, #tpu.memory_space<semaphore_mem>>) src(%dma_wait3A_246 : memref<10000x128xf32, #tpu.memory_space<hbm>>) dst(%arg14 : memref<80x128xf32, #tpu.memory_space<vmem>>)
      %dma_start3A_247 = arith.constant 4 : i32
      %dma_start3A_248 = arith.constant 0 : i32
      %dma_start3A_249 = tpu.memref_slice %arg13[%dma_start3A_247, %dma_start3A_248] : memref<5x80xi32, #tpu.memory_space<vmem>> -> memref<1x80xi32, #tpu.memory_space<vmem>>
      %dma_start3A_250 = tpu.memref_squeeze %dma_start3A_249 : memref<1x80xi32, #tpu.memory_space<vmem>> -> memref<80xi32, #tpu.memory_space<vmem>>
      %dma_start3A_251 = arith.constant 0 : i32
      %dma_start3A_252 = arith.constant 0 : i32
      %dma_start3A_253 = tpu.memref_slice %arg17[%dma_start3A_251, %dma_start3A_252] : memref<10000x128xf32, #tpu.memory_space<vmem_shared>> -> memref<10000x128xf32, #tpu.memory_space<vmem_shared>>
      tpu.enqueue_indirect_dma source(%arg14 : memref<80x128xf32, #tpu.memory_space<vmem>>) target(%dma_start3A_253 : memref<10000x128xf32, #tpu.memory_space<vmem_shared>>) offsets(%dma_start3A_250 : memref<80xi32, #tpu.memory_space<vmem>>) semaphore(%arg21 : memref<!tpu.dma_semaphore, #tpu.memory_space<semaphore_mem>>) {add = true}
      %dma_start3A_254 = arith.constant 4 : i32
      %dma_start3A_255 = arith.constant 320 : i32
      %dma_start3A_256 = arith.constant 0 : i32
      %dma_start3A_257 = tpu.memref_slice %arg16[%dma_start3A_255, %dma_start3A_256] : memref<400x16xf32, #tpu.memory_space<vmem>> -> memref<80x16xf32, #tpu.memory_space<vmem>>
      %dma_start3A_258 = arith.constant 0 : i32
      %dma_start3A_259 = tpu.memref_slice %arg13[%dma_start3A_254, %dma_start3A_258] : memref<5x80xi32, #tpu.memory_space<vmem>> -> memref<1x80xi32, #tpu.memory_space<vmem>>
      %dma_start3A_260 = tpu.memref_squeeze %dma_start3A_259 : memref<1x80xi32, #tpu.memory_space<vmem>> -> memref<80xi32, #tpu.memory_space<vmem>>
      %dma_start3A_261 = arith.constant 0 : i32
      %dma_start3A_262 = arith.constant 0 : i32
      %dma_start3A_263 = tpu.memref_slice %arg18[%dma_start3A_261, %dma_start3A_262] : memref<10000x16xf32, #tpu.memory_space<vmem_shared>> -> memref<10000x16xf32, #tpu.memory_space<vmem_shared>>
      tpu.enqueue_indirect_dma source(%dma_start3A_257 : memref<80x16xf32, #tpu.memory_space<vmem>>) target(%dma_start3A_263 : memref<10000x16xf32, #tpu.memory_space<vmem_shared>>) offsets(%dma_start3A_260 : memref<80xi32, #tpu.memory_space<vmem>>) semaphore(%arg21 : memref<!tpu.dma_semaphore, #tpu.memory_space<semaphore_mem>>) {add = true}
      %dma_wait3A_264 = arith.constant 4 : i32
      %dma_wait3A_265 = arith.constant 0 : i32
      %dma_wait3A_266 = tpu.memref_slice %arg13[%dma_wait3A_264, %dma_wait3A_265] : memref<5x80xi32, #tpu.memory_space<vmem>> -> memref<1x80xi32, #tpu.memory_space<vmem>>
      %dma_wait3A_267 = tpu.memref_squeeze %dma_wait3A_266 : memref<1x80xi32, #tpu.memory_space<vmem>> -> memref<80xi32, #tpu.memory_space<vmem>>
      %dma_wait3A_268 = arith.constant 0 : i32
      %dma_wait3A_269 = arith.constant 0 : i32
      %dma_wait3A_270 = tpu.memref_slice %arg17[%dma_wait3A_268, %dma_wait3A_269] : memref<10000x128xf32, #tpu.memory_space<vmem_shared>> -> memref<10000x128xf32, #tpu.memory_space<vmem_shared>>
      tpu.wait_indirect_dma semaphore(%arg21 : memref<!tpu.dma_semaphore, #tpu.memory_space<semaphore_mem>>) src(%arg14 : memref<80x128xf32, #tpu.memory_space<vmem>>) dst(%dma_wait3A_270 : memref<10000x128xf32, #tpu.memory_space<vmem_shared>>)
      %dma_wait3A_271 = arith.constant 4 : i32
      %dma_wait3A_272 = arith.constant 320 : i32
      %dma_wait3A_273 = arith.constant 0 : i32
      %dma_wait3A_274 = tpu.memref_slice %arg16[%dma_wait3A_272, %dma_wait3A_273] : memref<400x16xf32, #tpu.memory_space<vmem>> -> memref<80x16xf32, #tpu.memory_space<vmem>>
      %dma_wait3A_275 = arith.constant 0 : i32
      %dma_wait3A_276 = tpu.memref_slice %arg13[%dma_wait3A_271, %dma_wait3A_275] : memref<5x80xi32, #tpu.memory_space<vmem>> -> memref<1x80xi32, #tpu.memory_space<vmem>>
      %dma_wait3A_277 = tpu.memref_squeeze %dma_wait3A_276 : memref<1x80xi32, #tpu.memory_space<vmem>> -> memref<80xi32, #tpu.memory_space<vmem>>
      %dma_wait3A_278 = arith.constant 0 : i32
      %dma_wait3A_279 = arith.constant 0 : i32
      %dma_wait3A_280 = tpu.memref_slice %arg18[%dma_wait3A_278, %dma_wait3A_279] : memref<10000x16xf32, #tpu.memory_space<vmem_shared>> -> memref<10000x16xf32, #tpu.memory_space<vmem_shared>>
      tpu.wait_indirect_dma semaphore(%arg21 : memref<!tpu.dma_semaphore, #tpu.memory_space<semaphore_mem>>) src(%dma_wait3A_274 : memref<80x16xf32, #tpu.memory_space<vmem>>) dst(%dma_wait3A_280 : memref<10000x16xf32, #tpu.memory_space<vmem_shared>>)
    }
    %scan3A_29 = arith.constant 25 : i32
    %barrier3A_30 = arith.constant 0 : index
    tpu.barrier barrier_id(%barrier3A_30)
    %scan3A_31 = arith.constant 0 : i32
    %scan3A_32 = arith.constant 0 : i32
    %scan3A_33 = arith.constant 8 : i32
    %scan3A_34 = arith.addi %scan3A_32, %scan3A_33 : i32
    %scan3A_35 = arith.constant 1 : i32
    scf.for %scan3A_37 = %scan3A_32 to %scan3A_34 step %scan3A_35  : i32 {
      %mul3A_38 = arith.constant 624 : i32
      %mul3A_39 = arith.muli %arg1, %mul3A_38 : i32
      %mul3A_40 = arith.constant 80 : i32
      %mul3A_41 = arith.muli %scan3A_37, %mul3A_40 : i32
      %add3A_42 = arith.addi %mul3A_39, %mul3A_41 : i32
      "tpu.region"() ({
        %run_scoped3A = tpu.sem_alloc : memref<!tpu.dma_semaphore, #tpu.memory_space<semaphore_mem>>
        %dma_start3A_65 = tpu.memref_slice %arg8[%add3A_42] : memref<20000xi32, #tpu.memory_space<hbm>> -> memref<80xi32, #tpu.memory_space<hbm>>
        %dma_start3A_66 = tpu.memref_slice %arg8[%add3A_42] : memref<20000xi32, #tpu.memory_space<hbm>> -> memref<80xi32, #tpu.memory_space<hbm>>
        tpu.enqueue_dma source(%dma_start3A_66 : memref<80xi32, #tpu.memory_space<hbm>>) target(%arg11 : memref<80xi32, #tpu.memory_space<vmem>>) target_semaphore(%run_scoped3A : memref<!tpu.dma_semaphore, #tpu.memory_space<semaphore_mem>>)
        %dma_wait3A_67 = tpu.memref_slice %arg8[%add3A_42] : memref<20000xi32, #tpu.memory_space<hbm>> -> memref<80xi32, #tpu.memory_space<hbm>>
        %dma_wait3A_68 = tpu.memref_slice %arg8[%add3A_42] : memref<20000xi32, #tpu.memory_space<hbm>> -> memref<80xi32, #tpu.memory_space<hbm>>
        tpu.wait_dma2 semaphore(%run_scoped3A : memref<!tpu.dma_semaphore, #tpu.memory_space<semaphore_mem>>) src(%dma_wait3A_68 : memref<80xi32, #tpu.memory_space<hbm>>) dst(%arg11 : memref<80xi32, #tpu.memory_space<vmem>>)
        tpu.yield
      }) : () -> ()
      %dma_start3A = arith.constant 0 : i32
      %dma_start3A_43 = arith.constant 0 : i32
      %dma_start3A_44 = tpu.memref_slice %arg17[%dma_start3A, %dma_start3A_43] : memref<10000x128xf32, #tpu.memory_space<vmem_shared>> -> memref<10000x128xf32, #tpu.memory_space<vmem_shared>>
      tpu.enqueue_indirect_dma source(%dma_start3A_44 : memref<10000x128xf32, #tpu.memory_space<vmem_shared>>) target(%arg14 : memref<80x128xf32, #tpu.memory_space<vmem>>) offsets(%arg11 : memref<80xi32, #tpu.memory_space<vmem>>) semaphore(%arg19 : memref<!tpu.dma_semaphore, #tpu.memory_space<semaphore_mem>>)
      %dma_wait3A = arith.constant 0 : i32
      %dma_wait3A_45 = arith.constant 0 : i32
      %dma_wait3A_46 = tpu.memref_slice %arg17[%dma_wait3A, %dma_wait3A_45] : memref<10000x128xf32, #tpu.memory_space<vmem_shared>> -> memref<10000x128xf32, #tpu.memory_space<vmem_shared>>
      tpu.wait_indirect_dma semaphore(%arg19 : memref<!tpu.dma_semaphore, #tpu.memory_space<semaphore_mem>>) src(%dma_wait3A_46 : memref<10000x128xf32, #tpu.memory_space<vmem_shared>>) dst(%arg14 : memref<80x128xf32, #tpu.memory_space<vmem>>)
      %mul3A_47 = arith.constant 10000 : i32
      %mul3A_48 = arith.muli %arg0, %mul3A_47 : i32
      %add3A_49 = arith.addi %mul3A_48, %add3A_42 : i32
      "tpu.region"() ({
        %run_scoped3A = tpu.sem_alloc : memref<!tpu.dma_semaphore, #tpu.memory_space<semaphore_mem>>
        %dma_start3A_65 = arith.constant 0 : i32
        %dma_start3A_66 = tpu.memref_slice %arg9[%add3A_49, %dma_start3A_65] : memref<20000x128xf32, #tpu.memory_space<hbm>> -> memref<80x128xf32, #tpu.memory_space<hbm>>
        %dma_start3A_67 = arith.constant 0 : i32
        %dma_start3A_68 = tpu.memref_slice %arg9[%add3A_49, %dma_start3A_67] : memref<20000x128xf32, #tpu.memory_space<hbm>> -> memref<80x128xf32, #tpu.memory_space<hbm>>
        tpu.enqueue_dma source(%arg14 : memref<80x128xf32, #tpu.memory_space<vmem>>) target(%dma_start3A_68 : memref<80x128xf32, #tpu.memory_space<hbm>>) target_semaphore(%run_scoped3A : memref<!tpu.dma_semaphore, #tpu.memory_space<semaphore_mem>>)
        %dma_wait3A_69 = arith.constant 0 : i32
        %dma_wait3A_70 = tpu.memref_slice %arg9[%add3A_49, %dma_wait3A_69] : memref<20000x128xf32, #tpu.memory_space<hbm>> -> memref<80x128xf32, #tpu.memory_space<hbm>>
        %dma_wait3A_71 = arith.constant 0 : i32
        %dma_wait3A_72 = tpu.memref_slice %arg9[%add3A_49, %dma_wait3A_71] : memref<20000x128xf32, #tpu.memory_space<hbm>> -> memref<80x128xf32, #tpu.memory_space<hbm>>
        tpu.wait_dma2 semaphore(%run_scoped3A : memref<!tpu.dma_semaphore, #tpu.memory_space<semaphore_mem>>) src(%arg14 : memref<80x128xf32, #tpu.memory_space<vmem>>) dst(%dma_wait3A_72 : memref<80x128xf32, #tpu.memory_space<hbm>>)
        tpu.yield
      }) : () -> ()
      %dma_start3A_50 = arith.constant 0 : i32
      %dma_start3A_51 = arith.constant 0 : i32
      %dma_start3A_52 = tpu.memref_slice %arg16[%dma_start3A_50, %dma_start3A_51] : memref<400x16xf32, #tpu.memory_space<vmem>> -> memref<80x16xf32, #tpu.memory_space<vmem>>
      %dma_start3A_53 = arith.constant 0 : i32
      %dma_start3A_54 = arith.constant 0 : i32
      %dma_start3A_55 = tpu.memref_slice %arg18[%dma_start3A_53, %dma_start3A_54] : memref<10000x16xf32, #tpu.memory_space<vmem_shared>> -> memref<10000x16xf32, #tpu.memory_space<vmem_shared>>
      tpu.enqueue_indirect_dma source(%dma_start3A_55 : memref<10000x16xf32, #tpu.memory_space<vmem_shared>>) target(%dma_start3A_52 : memref<80x16xf32, #tpu.memory_space<vmem>>) offsets(%arg11 : memref<80xi32, #tpu.memory_space<vmem>>) semaphore(%arg19 : memref<!tpu.dma_semaphore, #tpu.memory_space<semaphore_mem>>)
      %dma_wait3A_56 = arith.constant 0 : i32
      %dma_wait3A_57 = arith.constant 0 : i32
      %dma_wait3A_58 = tpu.memref_slice %arg16[%dma_wait3A_56, %dma_wait3A_57] : memref<400x16xf32, #tpu.memory_space<vmem>> -> memref<80x16xf32, #tpu.memory_space<vmem>>
      %dma_wait3A_59 = arith.constant 0 : i32
      %dma_wait3A_60 = arith.constant 0 : i32
      %dma_wait3A_61 = tpu.memref_slice %arg18[%dma_wait3A_59, %dma_wait3A_60] : memref<10000x16xf32, #tpu.memory_space<vmem_shared>> -> memref<10000x16xf32, #tpu.memory_space<vmem_shared>>
      tpu.wait_indirect_dma semaphore(%arg19 : memref<!tpu.dma_semaphore, #tpu.memory_space<semaphore_mem>>) src(%dma_wait3A_61 : memref<10000x16xf32, #tpu.memory_space<vmem_shared>>) dst(%dma_wait3A_58 : memref<80x16xf32, #tpu.memory_space<vmem>>)
      %mul3A_62 = arith.constant 10000 : i32
      %mul3A_63 = arith.muli %arg0, %mul3A_62 : i32
      %add3A_64 = arith.addi %mul3A_63, %add3A_42 : i32
      "tpu.region"() ({
        %run_scoped3A = tpu.sem_alloc : memref<!tpu.dma_semaphore, #tpu.memory_space<semaphore_mem>>
        %dma_start3A_65 = arith.constant 0 : i32
        %dma_start3A_66 = arith.constant 0 : i32
        %dma_start3A_67 = tpu.memref_slice %arg16[%dma_start3A_65, %dma_start3A_66] : memref<400x16xf32, #tpu.memory_space<vmem>> -> memref<80x16xf32, #tpu.memory_space<vmem>>
        %dma_start3A_68 = arith.constant 0 : i32
        %dma_start3A_69 = tpu.memref_slice %arg10[%add3A_64, %dma_start3A_68] : memref<20000x16xf32, #tpu.memory_space<hbm>> -> memref<80x16xf32, #tpu.memory_space<hbm>>
        %dma_start3A_70 = arith.constant 0 : i32
        %dma_start3A_71 = tpu.memref_slice %arg10[%add3A_64, %dma_start3A_70] : memref<20000x16xf32, #tpu.memory_space<hbm>> -> memref<80x16xf32, #tpu.memory_space<hbm>>
        %dma_start3A_72 = arith.constant 0 : i32
        %dma_start3A_73 = arith.constant 0 : i32
        %dma_start3A_74 = tpu.memref_slice %arg16[%dma_start3A_72, %dma_start3A_73] : memref<400x16xf32, #tpu.memory_space<vmem>> -> memref<80x16xf32, #tpu.memory_space<vmem>>
        tpu.enqueue_dma source(%dma_start3A_74 : memref<80x16xf32, #tpu.memory_space<vmem>>) target(%dma_start3A_71 : memref<80x16xf32, #tpu.memory_space<hbm>>) target_semaphore(%run_scoped3A : memref<!tpu.dma_semaphore, #tpu.memory_space<semaphore_mem>>)
        %dma_wait3A_75 = arith.constant 0 : i32
        %dma_wait3A_76 = arith.constant 0 : i32
        %dma_wait3A_77 = tpu.memref_slice %arg16[%dma_wait3A_75, %dma_wait3A_76] : memref<400x16xf32, #tpu.memory_space<vmem>> -> memref<80x16xf32, #tpu.memory_space<vmem>>
        %dma_wait3A_78 = arith.constant 0 : i32
        %dma_wait3A_79 = tpu.memref_slice %arg10[%add3A_64, %dma_wait3A_78] : memref<20000x16xf32, #tpu.memory_space<hbm>> -> memref<80x16xf32, #tpu.memory_space<hbm>>
        %dma_wait3A_80 = arith.constant 0 : i32
        %dma_wait3A_81 = tpu.memref_slice %arg10[%add3A_64, %dma_wait3A_80] : memref<20000x16xf32, #tpu.memory_space<hbm>> -> memref<80x16xf32, #tpu.memory_space<hbm>>
        %dma_wait3A_82 = arith.constant 0 : i32
        %dma_wait3A_83 = arith.constant 0 : i32
        %dma_wait3A_84 = tpu.memref_slice %arg16[%dma_wait3A_82, %dma_wait3A_83] : memref<400x16xf32, #tpu.memory_space<vmem>> -> memref<80x16xf32, #tpu.memory_space<vmem>>
        tpu.wait_dma2 semaphore(%run_scoped3A : memref<!tpu.dma_semaphore, #tpu.memory_space<semaphore_mem>>) src(%dma_wait3A_84 : memref<80x16xf32, #tpu.memory_space<vmem>>) dst(%dma_wait3A_81 : memref<80x16xf32, #tpu.memory_space<hbm>>)
        tpu.yield
      }) : () -> ()
    }
    %scan3A_36 = arith.constant 8 : i32
    return
  }
}

module attributes {stable_mosaic.version = 14 : i64} {
  func.func @_post_body(%arg0: memref<10000x128xf32, #tpu.memory_space<vmem>>, %arg1: memref<128x128xf32, #tpu.memory_space<vmem>>, %arg2: memref<128x128xf32, #tpu.memory_space<vmem>>, %arg3: memref<16x128xf32, #tpu.memory_space<vmem>>, %arg4: memref<128x12xf32, #tpu.memory_space<vmem>>, %arg5: memref<1x12xf32, #tpu.memory_space<vmem>>, %arg6: memref<20000x128xf32, #tpu.memory_space<vmem>>, %arg7: memref<20000x16xf32, #tpu.memory_space<vmem>>, %arg8: memref<1x10000xi32, #tpu.memory_space<vmem>>, %arg9: memref<1x10000xi32, #tpu.memory_space<vmem>>, %arg10: memref<512x12xf32, #tpu.memory_space<vmem>>) attributes {dimension_semantics = [], scalar_prefetch = 0 : i64, scratch_operands = 0 : i64, tpu.core_type = #tpu.core_type<tc>} {
    %get3A = arith.constant 0 : index
    %get3A_0 = arith.constant 0 : index
    %get3A_1 = vector.load %arg6[%get3A, %get3A_0] : memref<20000x128xf32, #tpu.memory_space<vmem>>, vector<10000x128xf32>
    %get3A_2 = arith.constant 0 : index
    %get3A_3 = arith.constant 0 : index
    %get3A_4 = vector.load %arg7[%get3A_2, %get3A_3] : memref<20000x16xf32, #tpu.memory_space<vmem>>, vector<10000x16xf32>
    %get3A_5 = arith.constant 10000 : index
    %get3A_6 = arith.constant 0 : index
    %get3A_7 = vector.load %arg6[%get3A_5, %get3A_6] : memref<20000x128xf32, #tpu.memory_space<vmem>>, vector<10000x128xf32>
    %add3A = arith.addf %get3A_1, %get3A_7 : vector<10000x128xf32>
    %get3A_8 = arith.constant 10000 : index
    %get3A_9 = arith.constant 0 : index
    %get3A_10 = vector.load %arg7[%get3A_8, %get3A_9] : memref<20000x16xf32, #tpu.memory_space<vmem>>, vector<10000x16xf32>
    %add3A_11 = arith.addf %get3A_4, %get3A_10 : vector<10000x16xf32>
    %get3A_12 = arith.constant 0 : index
    %get3A_13 = arith.constant 0 : index
    %get3A_14 = vector.load %arg0[%get3A_12, %get3A_13] : memref<10000x128xf32, #tpu.memory_space<vmem>>, vector<10000x128xf32>
    %get3A_15 = arith.constant 0 : index
    %get3A_16 = arith.constant 0 : index
    %get3A_17 = vector.load %arg1[%get3A_15, %get3A_16] : memref<128x128xf32, #tpu.memory_space<vmem>>, vector<128x128xf32>
    %dot_general3A = arith.constant dense<0.000000e+00> : vector<10000x128xf32>
    %dot_general3A_18 = tpu.matmul %get3A_14, %get3A_17, %dot_general3A {dimension_numbers = #tpu.dot_dimension_numbers<[1], [0], [0], [1], [0, 0, 1, 1], [], []>, transpose_lhs_hint = false} : vector<10000x128xf32>, vector<128x128xf32>, vector<10000x128xf32> -> vector<10000x128xf32>
    %get3A_19 = arith.constant 0 : index
    %get3A_20 = arith.constant 0 : index
    %get3A_21 = vector.load %arg2[%get3A_19, %get3A_20] : memref<128x128xf32, #tpu.memory_space<vmem>>, vector<128x128xf32>
    %dot_general3A_22 = arith.constant dense<0.000000e+00> : vector<10000x128xf32>
    %dot_general3A_23 = tpu.matmul %add3A, %get3A_21, %dot_general3A_22 {dimension_numbers = #tpu.dot_dimension_numbers<[1], [0], [0], [1], [0, 0, 1, 1], [], []>, transpose_lhs_hint = false} : vector<10000x128xf32>, vector<128x128xf32>, vector<10000x128xf32> -> vector<10000x128xf32>
    %add3A_24 = arith.addf %dot_general3A_18, %dot_general3A_23 : vector<10000x128xf32>
    %get3A_25 = arith.constant 0 : index
    %get3A_26 = arith.constant 0 : index
    %get3A_27 = vector.load %arg3[%get3A_25, %get3A_26] : memref<16x128xf32, #tpu.memory_space<vmem>>, vector<16x128xf32>
    %dot_general3A_28 = arith.constant dense<0.000000e+00> : vector<10000x128xf32>
    %dot_general3A_29 = tpu.matmul %add3A_11, %get3A_27, %dot_general3A_28 {dimension_numbers = #tpu.dot_dimension_numbers<[1], [0], [0], [1], [0, 0, 1, 1], [], []>, transpose_lhs_hint = false} : vector<10000x16xf32>, vector<16x128xf32>, vector<10000x128xf32> -> vector<10000x128xf32>
    %add3A_30 = arith.addf %add3A_24, %dot_general3A_29 : vector<10000x128xf32>
    %max3A = arith.constant 0.000000e+00 : f32
    %max3A_31 = vector.broadcast %max3A : f32 to vector<10000x128xf32>
    %max3A_32 = arith.maximumf %add3A_30, %max3A_31 : vector<10000x128xf32>
    %get3A_33 = arith.constant 0 : index
    %get3A_34 = arith.constant 0 : index
    %get3A_35 = vector.load %arg8[%get3A_33, %get3A_34] : memref<1x10000xi32, #tpu.memory_space<vmem>>, vector<1x10000xi32>
    %get3A_36 = arith.constant 0 : index
    %get3A_37 = arith.constant 0 : index
    %get3A_38 = vector.load %arg9[%get3A_36, %get3A_37] : memref<1x10000xi32, #tpu.memory_space<vmem>>, vector<1x10000xi32>
    %iota3A = tpu.iota {dimensions = array<i32: 1>} : vector<1x10000xi32>
    %eq3A = arith.cmpi eq, %get3A_35, %get3A_38 : vector<1x10000xi32>
    %ne3A = arith.constant 9999 : i32
    %ne3A_39 = vector.broadcast %ne3A : i32 to vector<1x10000xi32>
    %ne3A_40 = arith.cmpi ne, %iota3A, %ne3A_39 : vector<1x10000xi32>
    %and3A = arith.andi %eq3A, %ne3A_40 : vector<1x10000xi1>
    %iota3A_41 = tpu.iota {dimensions = array<i32: 0>} : vector<512x10000xi32>
    %eq3A_42 = vector.broadcast %get3A_35 : vector<1x10000xi32> to vector<512x10000xi32>
    %eq3A_43 = arith.cmpi eq, %iota3A_41, %eq3A_42 : vector<512x10000xi32>
    %and3A_44 = vector.broadcast %and3A : vector<1x10000xi1> to vector<512x10000xi1>
    %and3A_45 = arith.andi %eq3A_43, %and3A_44 : vector<512x10000xi1>
    %jit3A = arith.constant 1.000000e+00 : f32
    %jit3A_46 = arith.constant 0.000000e+00 : f32
    %broadcast_in_dim3A = vector.broadcast %jit3A : f32 to vector<512x10000xf32>
    %broadcast_in_dim3A_47 = vector.broadcast %jit3A_46 : f32 to vector<512x10000xf32>
    %select_n3A = arith.select %and3A_45, %broadcast_in_dim3A, %broadcast_in_dim3A_47 : vector<512x10000xi1>, vector<512x10000xf32>
    %dot_general3A_48 = arith.constant dense<0.000000e+00> : vector<512x128xf32>
    %dot_general3A_49 = tpu.matmul %select_n3A, %max3A_32, %dot_general3A_48 {dimension_numbers = #tpu.dot_dimension_numbers<[1], [0], [0], [1], [0, 0, 1, 1], [], []>, transpose_lhs_hint = false} : vector<512x10000xf32>, vector<10000x128xf32>, vector<512x128xf32> -> vector<512x128xf32>
    %reduce_sum3A = arith.constant dense<0.000000e+00> : vector<512xf32>
    %reduce_sum3A_50 = vector.multi_reduction <add>, %select_n3A, %reduce_sum3A [1] : vector<512x10000xf32> to vector<512xf32>
    %broadcast_in_dim3A_51 = vector.shape_cast %reduce_sum3A_50 : vector<512xf32> to vector<512x1xf32>
    %max3A_52 = arith.constant 1.000000e+00 : f32
    %max3A_53 = vector.broadcast %max3A_52 : f32 to vector<512x1xf32>
    %max3A_54 = arith.maximumf %broadcast_in_dim3A_51, %max3A_53 : vector<512x1xf32>
    %div3A = vector.broadcast %max3A_54 : vector<512x1xf32> to vector<512x128xf32>
    %div3A_55 = arith.divf %dot_general3A_49, %div3A : vector<512x128xf32>
    %get3A_56 = arith.constant 0 : index
    %get3A_57 = arith.constant 0 : index
    %get3A_58 = vector.load %arg4[%get3A_56, %get3A_57] : memref<128x12xf32, #tpu.memory_space<vmem>>, vector<128x12xf32>
    %dot_general3A_59 = arith.constant dense<0.000000e+00> : vector<512x12xf32>
    %dot_general3A_60 = tpu.matmul %div3A_55, %get3A_58, %dot_general3A_59 {dimension_numbers = #tpu.dot_dimension_numbers<[1], [0], [0], [1], [0, 0, 1, 1], [], []>, transpose_lhs_hint = false} : vector<512x128xf32>, vector<128x12xf32>, vector<512x12xf32> -> vector<512x12xf32>
    %get3A_61 = arith.constant 0 : index
    %get3A_62 = arith.constant 0 : index
    %get3A_63 = vector.load %arg5[%get3A_61, %get3A_62] : memref<1x12xf32, #tpu.memory_space<vmem>>, vector<1x12xf32>
    %add3A_64 = vector.broadcast %get3A_63 : vector<1x12xf32> to vector<512x12xf32>
    %add3A_65 = arith.addf %dot_general3A_60, %add3A_64 : vector<512x12xf32>
    %swap3A = arith.constant 0 : index
    %swap3A_66 = arith.constant 0 : index
    %swap3A_67 = vector.load %arg10[%swap3A, %swap3A_66] : memref<512x12xf32, #tpu.memory_space<vmem>>, vector<512x12xf32>
    tpu.vector_store %arg10[%swap3A, %swap3A_66], %add3A_65 {strides = array<i32>} : memref<512x12xf32, #tpu.memory_space<vmem>>, vector<512x12xf32>,
    return
  }
}

</mosaic_0001>

<sc_bundles>
// kernel: kernel.4.cloned.1.call-start
scs
__scs_entry_jumppad:
0x0: {  	(pc) =	sbr.rel $0x88, $3  }
0x1: {  	(tag) =	ssettag $0x0;
	lr =	simm.s32 $0x1  }
0x2: {  	[smem:$0x3F98] =	sst lr;
	_ =	strace $0xD0000000  }
0x3: {  	_ = 	snop  }
0x4: {  	_ = 	snop  }
0x5: {  	_ = 	snop  }
0x6: {  	_ = 	snop  }
0x7: {  	_ = 	snop  }
__scs_overlays_trampoline_lowered:
0x8: {  	[smem:$0x3FA7] =	sst s0  }
0x9: {  	[smem:$0x3FA8] =	sst s1  }
0xa: {  	[smem:$0x3FA9] =	sst s2  }
0xb: {  	[smem:$0x3FAA] =	sst s3  }
0xc: {  	[smem:$0x3FAB] =	sst s4  }
0xd: {  	[smem:$0x3FAC] =	sst s5  }
0xe: {  	[smem:$0x3FAD] =	sst s6  }
0xf: {  	[smem:$0x3FAE] =	sst s7  }
0x10: {  	[smem:$0x3FAF] =	sst s8  }
0x11: {  	[smem:$0x3FB0] =	sst s9;
	s0 =	simm.s32 @!p0 $0x0  }
0x12: {  	s1 =	sld [smem:$0x3F96];
	s0 =	simm.s32 @p0 $0x1  }
0x13: {  	[smem:$0x3FB1] =	sst s0;
	s0 =	simm.s32 @!p1 $0x0  }
0x14: {  	s2 =	sld [smem:$0x3F95];
	s0 =	simm.s32 @p1 $0x1  }
0x15: {  	[smem:$0x3FB2] =	sst s0;
	s0 =	simm.s32 @!p2 $0x0  }
0x16: {  	s3 =	sld [smem:$0x3FDB];
	s0 =	simm.s32 @p2 $0x1  }
0x17: {  	s4 =	simm.s32 $0x1BF5;
	[smem:$0x3FB4] =	sst s0  }
0x18: {  	s0 =	sld [smem:$0x3F97];
	_ =	swait.ge [sflag:s4], $0x0  }
0x19: {  	s7 =	sld [smem:$0x3F98]  }
0x1a: {  	s8 =	sadd.s32 $0xFFFFE003, lr  }
0x1b: {  	s9 =	sadd.s32 $0xFFFFFEF7, lr;
	s5 =	simm.s32 $0xFFFFFFFF;
	p2 =	slt.u32 s8, $0xFFFFF086  }
0x1c: {  	p1 =	slt.u32 s9, $0xF7A;
	s5 =	simm.s32 @!p2 $0x0  }
0x1d: {  	s5 =	simm.s32 @p1 $0x1;
	p0 =	seq.s32 s7, s2  }
0x1e: {  	s7 =	smul.u32 @!p0 $0xF7A, s2;
	p2 =	seq.s32 @!p0 s5, $0x0  }
0x1f: {  	s9 =	smul.u32 $0xF7A, s1;
	s8 =	simm.s32 @!p0 $0x1BF5;
	p2 =	por !p2, p0  }
0x20: {  	[sflag:s8] =	ssyncset.s32 @!p0 $0xFFFFF086;
	s6 =	sadd.s32 @!p0 s3, s7;
	s7 =	simm.s32 @!p0 $0x108  }
0x21: {  	s3 =	sadd.s32 s3, s9;
	s6 =	sadd.s32 @!p0 $0x88, s6;
	s7 =	simm.s32 @p2 $0x1082  }
0x22: {  	[simem:s7], [sflag:s8] =	dma.local @!p0 [hbm:s6], $0xF7A  }
0x23: {  	s9 =	sor.u32 $0xD0000000, s2;
	s6 =	simm.s32 $0x108;
	_ =	swait.ge @!p0 [sflag:s8], $0x0  }
0x24: {  	s3 =	sadd.s32 $0x88, s3;
	s6 =	simm.s32 @!p1 $0x1082;
	[sflag:s4] =	ssyncset.s32 $0xFFFFF086  }
0x25: {  	[simem:s6], [sflag:s4] =	dma.local [hbm:s3], $0xF7A  }
0x26: {  	[smem:$0x3F98] =	sst s1;
	(tag) =	ssettag s2;
	_ =	strace s9  }
0x27: {  	s1 =	sld [smem:$0x3FA8]  }
0x28: {  	s2 =	sld [smem:$0x3FA9]  }
0x29: {  	s4 =	sld [smem:$0x3FAB]  }
0x2a: {  	p0 =	seq.s32 s5, $0x0;
	s5 =	sld [smem:$0x3FAC]  }
0x2b: {  	s6 =	sld [smem:$0x3FAD]  }
0x2c: {  	s7 =	sld [smem:$0x3FAE]  }
0x2d: {  	s3 =	simm.s32 $0x108;
	s8 =	sld [smem:$0x3FAF]  }
0x2e: {  	s3 =	simm.s32 @!p0 $0x1082;
	s9 =	sld [smem:$0x3FB0]  }
0x2f: {  	lr =	sadd.s32 s0, s3;
	s0 =	sld [smem:$0x3FA7]  }
0x30: {  	s3 =	sld [smem:$0x3FAA]  }
0x31: {  	[smem:$0x3FB3] =	sst s10  }
0x32: {  	s10 =	sld [smem:$0x3FB1];
	_ =	sdelay $0x3  }
0x33: {  	p0 =	seq.s32 s10, $0x1;
	s10 =	sld [smem:$0x3FB3];
	_ =	sdelay $0x3  }
0x34: {  	[smem:$0x3FB3] =	sst s10  }
0x35: {  	s10 =	sld [smem:$0x3FB2];
	_ =	sdelay $0x3  }
0x36: {  	p1 =	seq.s32 s10, $0x1;
	s10 =	sld [smem:$0x3FB3];
	_ =	sdelay $0x3  }
0x37: {  	[smem:$0x3FB3] =	sst s10  }
0x38: {  	s10 =	sld [smem:$0x3FB4]  }
0x39: {  	_ = 	snop;
	(pc) =	sbr.ind lr, $3  }
0x3a: {  	_ = 	snop  }
0x3b: {  	_ = 	snop  }
0x3c: {  	p2 =	seq.s32 s10, $0x1;
	s10 =	sld [smem:$0x3FB3]  }
0x3d: {  	_ =	shalt  }
0x3e: {  	_ =	shalt  }
0x3f: {  	_ =	shalt  }
0x40: {  	_ =	shalt  }
0x41: {  	_ =	shalt  }
0x42: {  	_ =	shalt  }
0x43: {  	_ =	shalt  }
0x44: {  	_ =	shalt  }
0x45: {  	_ =	shalt  }
0x46: {  	_ =	shalt  }
0x47: {  	_ =	shalt  }
0x48: {  	_ =	shalt  }
0x49: {  	_ =	shalt  }
0x4a: {  	_ =	shalt  }
0x4b: {  	_ =	shalt  }
0x4c: {  	_ =	shalt  }
0x4d: {  	_ =	shalt  }
0x4e: {  	_ =	shalt  }
0x4f: {  	_ =	shalt  }
0x50: {  	_ =	shalt  }
0x51: {  	_ =	shalt  }
0x52: {  	_ =	shalt  }
0x53: {  	_ =	shalt  }
0x54: {  	_ =	shalt  }
0x55: {  	_ =	shalt  }
0x56: {  	_ =	shalt  }
0x57: {  	_ =	shalt  }
0x58: {  	_ =	shalt  }
0x59: {  	_ =	shalt  }
0x5a: {  	_ =	shalt  }
0x5b: {  	_ =	shalt  }
0x5c: {  	_ =	shalt  }
0x5d: {  	_ =	shalt  }
0x5e: {  	_ =	shalt  }
0x5f: {  	_ =	shalt  }
0x60: {  	_ =	shalt  }
0x61: {  	_ =	shalt  }
0x62: {  	_ =	shalt  }
0x63: {  	_ =	shalt  }
0x64: {  	_ =	shalt  }
0x65: {  	_ =	shalt  }
0x66: {  	_ =	shalt  }
0x67: {  	_ =	shalt  }
0x68: {  	_ =	shalt  }
0x69: {  	_ =	shalt  }
0x6a: {  	_ =	shalt  }
0x6b: {  	_ =	shalt  }
0x6c: {  	_ =	shalt  }
0x6d: {  	_ =	shalt  }
0x6e: {  	_ =	shalt  }
0x6f: {  	_ =	shalt  }
0x70: {  	_ =	shalt  }
0x71: {  	_ =	shalt  }
0x72: {  	_ =	shalt  }
0x73: {  	_ =	shalt  }
0x74: {  	_ =	shalt  }
0x75: {  	_ =	shalt  }
0x76: {  	_ =	shalt  }
0x77: {  	_ =	shalt  }
0x78: {  	_ =	shalt  }
0x79: {  	_ =	shalt  }
0x7a: {  	_ =	shalt  }
0x7b: {  	_ =	shalt  }
0x7c: {  	_ =	shalt  }
0x7d: {  	_ =	shalt  }
0x7e: {  	_ =	shalt  }
0x7f: {  	_ =	shalt  }
0x80: {  	_ =	shalt  }
0x81: {  	_ =	shalt  }
0x82: {  	_ =	shalt  }
0x83: {  	_ =	shalt  }
0x84: {  	_ =	shalt  }
0x85: {  	_ =	shalt  }
0x86: {  	_ =	shalt  }
0x87: {  	_ =	shalt  }
.Lfunc_end0:
.L_simem_size_0:
called_computation_lowered:
.L_overlay_start_0:
0x88: {  	s2 =	sld [smem:$0x3FD9]  }
0x89: {  	s3 =	sld [smem:$0x3FFE];
	_ =	sdelay $0x1  }
0x8a: {  	s1 =	srdreg.scid  }
0x8b: {  	s0 =	sand.u32 $0x1, s1  }
0x8c: {  	s17 =	sshll.u32 s0, $0xA;
	s2 =	sadd.s32 s3, s2  }
0x8d: {  	s2 =	sadd.s32 s2, s17  }
0x8e: {  	[smem:$0x3FBF] =	sst s2  }
0x8f: {  	_ = 	snop  }
0x90: {  	s2 =	sld [smem:$0x3FC9]  }
0x91: {  	s18 =	sld [smem:$0x3FD0];
	(tm) =	ssettm $0x1  }
0x92: {  	s4 =	sld [smem:$0x3FFB];
	_ =	sdelay $0x3  }
0x93: {  	_ =	strace s4  }
0x94: {  	s4 =	sld [smem:$0x3FFC];
	_ =	sdelay $0x3  }
0x95: {  	_ =	strace s4  }
0x96: {  	s4 =	sld [smem:$0x3FFD];
	_ =	sdelay $0x3  }
0x97: {  	_ =	strace s4  }
0x98: {  	_ =	strace $0x8FFFFFFF  }
0x99: {  	s19 =	sld [smem:$0x3FDB];
	_ =	sdelay $0x1  }
0x9a: {  	s5 =	simm.s32 $_scs_section_size  }
0x9b: {  	s6 =	simm.s32 $_size__tile_overlayer_lowered;
	s7 =	simm.s32 $_tile_overlayer_lowered  }
0x9c: {  	s22 =	simm.s32 $0x1BFF;
	s21 =	sshll.u32 s7, $0x1;
	s4 =	sadd.s32 s5, s19  }
0x9d: {  	s8 =	simm.s32 $0x0;
	s20 =	sshll.u32 s6, $0x1;
	s6 =	sadd.s32 s21, s4  }
0x9e: {  	[timem:s8], [sflag:s22] =	dma.local [hbm:s6], s20  }
0x9f: {  	_ =	swait.ge [sflag:s22], s20  }
0xa0: {  	s5 =	ssub.s32 $0x0, s20;
	[sflag:s22] =	ssyncset.done $0x0  }
0xa1: {  	[sflag:s22] =	ssyncadd.s32 s5;
	_ =	sdelay $0x1  }
0xa2: {  	s23 =	simm.s32 $0x1B8B  }
0xa3: {  	_ =	swait.ge [sflag:s23], $0x1  }
0xa4: {  	[sflag:s23] =	ssyncset.done $0x0  }
0xa5: {  	s25 =	simm.s32 $0x1B8E;
	s24 =	sld [smem:$0x3FFE];
	[sflag:s23] =	ssyncadd.s32 $0xFFFFFFFF  }
0xa6: {  	s26 =	simm.s32 $execute0_lowered;
	[smem:$0x3FD2] =	sst s25  }
0xa7: {  	s6 =	sshll.u32 s26, $0x1;
	_ =	strace $0x80000046;
	[dreg:$0x1] =	wrdreg $0xFFFFFFFF  }
0xa8: {  	s28 =	simm.s32 $_size_execute0_lowered;
	s4 =	sadd.s32 s4, s6;
	[dreg:$0x0] =	wrdreg $0x0  }
0xa9: {  	s6 =	sshll.u32 s28, $0x1;
	[dreg:$0x2] =	wrdreg s4  }
0xaa: {  	[dreg:$0x3] =	wrdreg s6  }
0xab: {  	[dreg:$0x4] =	wrdreg $0xC0  }
0xac: {  	_ =	task [dreg:s8], $0x5FFFF  }
0xad: {  	[dreg:$0x1] =	wrdreg $0xFFFFFFFF  }
0xae: {  	[dreg:$0x0] =	wrdreg $0x60  }
0xaf: {  	[dreg:$0x2] =	wrdreg s2  }
0xb0: {  	[dreg:$0x3] =	wrdreg s24  }
0xb1: {  	[dreg:$0x4] =	wrdreg s18  }
0xb2: {  	[dreg:$0x5] =	wrdreg $0x6C700  }
0xb3: {  	[dreg:$0x6] =	wrdreg $0x1A4F00  }
0xb4: {  	[dreg:$0x7] =	wrdreg $0x9  }
0xb5: {  	_ =	task.clear_ibuf [dreg:s8], $0x8FFFF;
	_ =	strace $0x90000046  }
0xb6: {  	s29 =	simm.s32 $0x9;
	_ =	strace $0x80000048  }
0xb7: {  	_ =	swait.ge [sflag:s29], $0x1  }
0xb8: {  	[sflag:s29] =	ssyncadd.s32 $0xFFFFFFFF  }
0xb9: {  	_ =	strace $0x90000048  }
0xba: {  	_ =	sfence  }
0xbb: {  	s30 =	sld [smem:$0x0];
	_ =	sdelay $0x2  }
0xbc: {  	s31 =	sshll.u32 s1, $0xD;
	s1 =	sshrl.u32 s1, $0x2  }
0xbd: {  	s3 =	sand.u32 $0x4000, s31;
	s1 =	sadd.s32 s1, s30  }
0xbe: {  	s0 =	sor.u32 s3, s0;
	s1 =	sshll.u32 s1, $0x11  }
0xbf: {  	s0 =	sor.u32 s1, s0  }
0xc0: {  	s0 =	sadd.s32 $0x8F2B, s0  }
0xc1: {  	[sflag:s0] =	ssyncadd.remote.s32 $0x1  }
0xc2: {  	_ =	sfence.sel $0xFFFF  }
0xc3: {  	[dreg:$0x0] =	wrdreg $0xFFFFFFFF;
	(pc) =	sbr.abs _section_cstart, $3  }
0xc4: {  	[dreg:$0x1] =	wrdreg $0xFFFFFFFF  }
0xc5: {  	_ =	task.clear_ibuf [dreg:s8], $0x2FFFF;
	_ =	strace $0x9FFFFFFF  }
0xc6: {  	(tm) =	ssettm $0x7FFFFFFF  }
0xc7: {  	_ =	shalt  }
tec
execute0_lowered:
.L_overlay_start_1:
0x0: {  	(tag) =	ssettag $0x1  }
0x1: {  	s1 =	rddreg [dreg:$0x0]  }
0x2: {  	s7 =	rddreg [dreg:$0x1]  }
0x3: {  	s0 =	srdreg.scid;
	s4 =	rddreg [dreg:$0x3]  }
0x4: {  	s13 =	stileid.u32;
	s5 =	rddreg [dreg:$0x4]  }
0x5: {  	s6 =	simm.s32 $0x0;
	s28 =	simm.s32 $0x1;
	s3 =	smul.u32 $0x2710, s13  }
0x6: {  	s29 =	simm.s32 $0x3;
	s30 =	simm.s32 $0xF0;
	s26 =	smul.u32 $0x270, s13  }
0x7: {  	s31 =	simm.s32 $0x2;
	s0 =	sand.u32 $0x1, s0;
	s21 =	smul.u32 $0x4E0, s13  }
0x8: {  	[smem:$0x7FF] =	sst s6;
	s9 =	sadd.s32 $0x15400, s7;
	s23 =	smul.u32 $0x2700, s13  }
0x9: {  	s10 =	sadd.s32 $0x15A00, s7;
	s2 =	smul.u32 $0x27100, s0;
	_ =	strace $0x80000047  }
0xa: {  	[dreg:$0x9] =	wrdreg s9;
	s11 =	smul.u32 $0x4E20, s0;
	s0 =	ssub.s32 $0x2, s0  }
0xb: {  	s12 =	sshrl.u32 s0, $0x1;
	s9 =	sshrl.u32 s26, $0x3;
	s26 =	simm.s32 $0xA0  }
0xc: {  	s0 =	ssub.s32 s0, s12;
	s9 =	sadd.s32 s10, s9;
	[dreg:$0x8] =	wrdreg s26  }
0xd: {  	s24 =	smul.u32 $0x4E, s13;
	s0 =	smax.u32 s0, $0x1;
	[dreg:$0xa] =	wrdreg s9  }
0xe: {  	s13 =	simm.s32 $0x6270;
	s14 =	sadd.s32 $0xA, s9;
	[dreg:$0xb] =	wrdreg s0  }
0xf: {  	s3 =	sadd.s32 s3, s2;
	s15 =	sadd.s32 $0x14, s9;
	[dreg:$0xc] =	wrdreg s14  }
0x10: {  	s2 =	sadd.s32 s2, s7;
	s16 =	sadd.s32 $0x1E, s9;
	[dreg:$0xd] =	wrdreg s15  }
0x11: {  	s26 =	simm.s32 $0x2B70;
	s17 =	sadd.s32 $0x28, s9;
	[dreg:$0xe] =	wrdreg s16  }
0x12: {  	s12 =	simm.s32 $0x2D0;
	s18 =	sadd.s32 $0x32, s9;
	[dreg:$0xf] =	wrdreg s17  }
0x13: {  	s3 =	smulhi.u32 $0x3333334, s3;
	s19 =	sadd.s32 $0x3C, s9;
	[dreg:$0x10] =	wrdreg s18  }
0x14: {  	s20 =	sadd.s32 $0x46, s9;
	s2 =	sadd.s32 s23, s2;
	[dreg:$0x11] =	wrdreg s19  }
0x15: {  	s23 =	simm.s32 $0x5370;
	s9 =	simm.s32 $0x280;
	[dreg:$0x12] =	wrdreg s20  }
0x16: {  	s18 =	sadd.s32 s24, s10;
	s25 =	sadd.s32 $0x20200, s2;
	s24 =	simm.s32 $0x50  }
0x17: {  	s2 =	simm.s32 $0x230;
	s10 =	simm.s32 $0x5D70;
	s8 =	smul.u32 $0xA0, s3  }
0x18: {  	s14 =	simm.s32 $0x320;
	s15 =	simm.s32 $0x6770;
	s3 =	smul.u32 $0xA, s3  }
0x19: {  	s16 =	simm.s32 $0x0;
	[dreg:$0x15] =	wrdreg s25;
	s25 =	simm.s32 $0x1E0  }
0x1a: {  	s8 =	sadd.s32 s8, s7;
	s3 =	sadd.s32 s3, s7;
	s7 =	sadd.s32 s11, s7  }
0x1b: {  	s11 =	simm.s32 $0x190;
	s8 =	sadd.s32 $0x4E3800, s8;
	s22 =	sadd.s32 $0xB600, s3  }
0x1c: {  	s3 =	sadd.s32 $0x1800, s3;
	s0 =	sadd.s32 s21, s7;
	[dreg:$0x13] =	wrdreg s8  }
0x1d: {  	s21 =	simm.s32 $0x370;
	s7 =	simm.s32 $0x140;
	[dreg:$0x6] =	wrdreg s22  }
0x1e: {  	[dreg:$0x7] =	wrdreg s3;
	s0 =	sadd.s32 $0x16400, s0;
	s22 =	simm.s32 $0x5  }
0x1f: {  	s3 =	simm.s32 $0x4;
	[dreg:$0x14] =	wrdreg s0;
	s0 =	simm.s32 $0x5870  }
.LBB2_1:
0x20: {  	[dreg:$0x16] =	wrdreg s16  }
0x21: {  	s8 =	rddreg [dreg:$0x9]  }
0x22: {  	[tilespmem:s21], [sflag:$0x5] =	stream.linear.gather [hbm4b:s8+s6], $0x2800, $0x38;
	[tilespmem:$0x1CC00] =	vst v63  }
0x23: {  	_ =	swait.ge [sflag:s22], $0x2800  }
0x24: {  	[sflag:s22] =	ssyncset.done $0x0  }
0x25: {  	[sflag:s22] =	ssyncadd.s32 $0xFFFFD800  }
0x26: {  	s16 =	rddreg [dreg:$0x2]  }
0x27: {  	[tilespmem:s23], [sflag:$0x5] =	stream.linear.gather [hbm4b:s16+s6], $0x500, $0x38;
	[tilespmem:$0x1CC00] =	vst v63  }
0x28: {  	_ =	swait.ge [sflag:s22], $0x500  }
0x29: {  	[sflag:s22] =	ssyncset.done $0x0  }
0x2a: {  	s17 =	rddreg [dreg:$0xa];
	[sflag:s22] =	ssyncadd.s32 $0xFFFFFB00  }
0x2b: {  	[tilespmem:s6], [sflag:$0x5] =	stream.linear.gather [hbm4b:s17+s6], $0x50, $0x38;
	[tilespmem:$0x1CC00] =	vst v63  }
0x2c: {  	_ =	swait.ge [sflag:s22], $0x50  }
0x2d: {  	[sflag:s22] =	ssyncset.done $0x0  }
0x2e: {  	[sflag:s22] =	ssyncadd.s32 $0xFFFFFFB0  }
0x2f: {  	[spmem:s4] =	stream.indirect.scatter [tilespmem:s21], [sflag:$0x5], $0x80, s6, s24, $0xb8;
	[tilespmem:$0x1CC00] =	vst v63  }
0x30: {  	_ =	swait.ge [sflag:s22], $0x2800  }
0x31: {  	[sflag:s22] =	ssyncset.done $0x0  }
0x32: {  	[sflag:s22] =	ssyncadd.s32 $0xFFFFD800  }
0x33: {  	[spmem:s5] =	stream.indirect.scatter [tilespmem:s23], [sflag:$0x5], $0x10, s6, s24, $0xb8;
	[tilespmem:$0x1CC00] =	vst v63  }
0x34: {  	_ =	swait.ge [sflag:s22], $0x500  }
0x35: {  	[sflag:s22] =	ssyncset.done $0x0  }
0x36: {  	s19 =	rddreg [dreg:$0xc];
	[sflag:s22] =	ssyncadd.s32 $0xFFFFFB00  }
0x37: {  	[tilespmem:s6], [sflag:$0x5] =	stream.linear.gather [hbm4b:s19+s6], $0x50, $0x38;
	[tilespmem:$0x1CC00] =	vst v63  }
0x38: {  	_ =	swait.ge [sflag:s22], $0x50  }
0x39: {  	[sflag:s22] =	ssyncset.done $0x0  }
0x3a: {  	[sflag:s22] =	ssyncadd.s32 $0xFFFFFFB0  }
0x3b: {  	[spmem:s4] =	stream.indirect.scatter [tilespmem:s21], [sflag:$0x5], $0x80, s6, s24, $0xb8;
	[tilespmem:$0x1CC00] =	vst v63  }
0x3c: {  	_ =	swait.ge [sflag:s22], $0x2800  }
0x3d: {  	[sflag:s22] =	ssyncset.done $0x0  }
0x3e: {  	[sflag:s22] =	ssyncadd.s32 $0xFFFFD800  }
0x3f: {  	[spmem:s5] =	stream.indirect.scatter [tilespmem:s23], [sflag:$0x5], $0x10, s6, s24, $0xb8;
	[tilespmem:$0x1CC00] =	vst v63  }
0x40: {  	_ =	swait.ge [sflag:s22], $0x500  }
0x41: {  	[sflag:s22] =	ssyncset.done $0x0  }
0x42: {  	s20 =	rddreg [dreg:$0xd];
	[sflag:s22] =	ssyncadd.s32 $0xFFFFFB00  }
0x43: {  	[tilespmem:s6], [sflag:$0x5] =	stream.linear.gather [hbm4b:s20+s6], $0x50, $0x38;
	[tilespmem:$0x1CC00] =	vst v63  }
0x44: {  	_ =	swait.ge [sflag:s22], $0x50  }
0x45: {  	[sflag:s22] =	ssyncset.done $0x0  }
0x46: {  	[sflag:s22] =	ssyncadd.s32 $0xFFFFFFB0  }
0x47: {  	[spmem:s4] =	stream.indirect.scatter [tilespmem:s21], [sflag:$0x5], $0x80, s6, s24, $0xb8;
	[tilespmem:$0x1CC00] =	vst v63  }
0x48: {  	_ =	swait.ge [sflag:s22], $0x2800  }
0x49: {  	[sflag:s22] =	ssyncset.done $0x0  }
0x4a: {  	[sflag:s22] =	ssyncadd.s32 $0xFFFFD800  }
0x4b: {  	[spmem:s5] =	stream.indirect.scatter [tilespmem:s23], [sflag:$0x5], $0x10, s6, s24, $0xb8;
	[tilespmem:$0x1CC00] =	vst v63  }
0x4c: {  	_ =	swait.ge [sflag:s22], $0x500  }
0x4d: {  	[sflag:s22] =	ssyncset.done $0x0  }
0x4e: {  	s16 =	rddreg [dreg:$0xe];
	[sflag:s22] =	ssyncadd.s32 $0xFFFFFB00  }
0x4f: {  	[tilespmem:s6], [sflag:$0x5] =	stream.linear.gather [hbm4b:s16+s6], $0x50, $0x38;
	[tilespmem:$0x1CC00] =	vst v63  }
0x50: {  	_ =	swait.ge [sflag:s22], $0x50  }
0x51: {  	[sflag:s22] =	ssyncset.done $0x0  }
0x52: {  	[sflag:s22] =	ssyncadd.s32 $0xFFFFFFB0  }
0x53: {  	[spmem:s4] =	stream.indirect.scatter [tilespmem:s21], [sflag:$0x5], $0x80, s6, s24, $0xb8;
	[tilespmem:$0x1CC00] =	vst v63  }
0x54: {  	_ =	swait.ge [sflag:s22], $0x2800  }
0x55: {  	[sflag:s22] =	ssyncset.done $0x0  }
0x56: {  	[sflag:s22] =	ssyncadd.s32 $0xFFFFD800  }
0x57: {  	[spmem:s5] =	stream.indirect.scatter [tilespmem:s23], [sflag:$0x5], $0x10, s6, s24, $0xb8;
	[tilespmem:$0x1CC00] =	vst v63  }
0x58: {  	_ =	swait.ge [sflag:s22], $0x500  }
0x59: {  	[sflag:s22] =	ssyncset.done $0x0  }
0x5a: {  	s17 =	rddreg [dreg:$0xf];
	[sflag:s22] =	ssyncadd.s32 $0xFFFFFB00  }
0x5b: {  	[tilespmem:s6], [sflag:$0x5] =	stream.linear.gather [hbm4b:s17+s6], $0x50, $0x38;
	[tilespmem:$0x1CC00] =	vst v63  }
0x5c: {  	_ =	swait.ge [sflag:s22], $0x50  }
0x5d: {  	[sflag:s22] =	ssyncset.done $0x0  }
0x5e: {  	[sflag:s22] =	ssyncadd.s32 $0xFFFFFFB0  }
0x5f: {  	[spmem:s4] =	stream.indirect.scatter [tilespmem:s21], [sflag:$0x5], $0x80, s6, s24, $0xb8;
	[tilespmem:$0x1CC00] =	vst v63  }
0x60: {  	_ =	swait.ge [sflag:s22], $0x2800  }
0x61: {  	[sflag:s22] =	ssyncset.done $0x0  }
0x62: {  	[sflag:s22] =	ssyncadd.s32 $0xFFFFD800  }
0x63: {  	[spmem:s5] =	stream.indirect.scatter [tilespmem:s23], [sflag:$0x5], $0x10, s6, s24, $0xb8;
	[tilespmem:$0x1CC00] =	vst v63  }
0x64: {  	_ =	swait.ge [sflag:s22], $0x500  }
0x65: {  	[sflag:s22] =	ssyncset.done $0x0  }
0x66: {  	s19 =	rddreg [dreg:$0x10];
	[sflag:s22] =	ssyncadd.s32 $0xFFFFFB00  }
0x67: {  	[tilespmem:s6], [sflag:$0x5] =	stream.linear.gather [hbm4b:s19+s6], $0x50, $0x38;
	[tilespmem:$0x1CC00] =	vst v63  }
0x68: {  	_ =	swait.ge [sflag:s22], $0x50  }
0x69: {  	[sflag:s22] =	ssyncset.done $0x0  }
0x6a: {  	[sflag:s22] =	ssyncadd.s32 $0xFFFFFFB0  }
0x6b: {  	[spmem:s4] =	stream.indirect.scatter [tilespmem:s21], [sflag:$0x5], $0x80, s6, s24, $0xb8;
	[tilespmem:$0x1CC00] =	vst v63  }
0x6c: {  	_ =	swait.ge [sflag:s22], $0x2800  }
0x6d: {  	[sflag:s22] =	ssyncset.done $0x0  }
0x6e: {  	[sflag:s22] =	ssyncadd.s32 $0xFFFFD800  }
0x6f: {  	[spmem:s5] =	stream.indirect.scatter [tilespmem:s23], [sflag:$0x5], $0x10, s6, s24, $0xb8;
	[tilespmem:$0x1CC00] =	vst v63  }
0x70: {  	_ =	swait.ge [sflag:s22], $0x500  }
0x71: {  	[sflag:s22] =	ssyncset.done $0x0  }
0x72: {  	s20 =	rddreg [dreg:$0x11];
	[sflag:s22] =	ssyncadd.s32 $0xFFFFFB00  }
0x73: {  	[tilespmem:s6], [sflag:$0x5] =	stream.linear.gather [hbm4b:s20+s6], $0x50, $0x38;
	[tilespmem:$0x1CC00] =	vst v63  }
0x74: {  	_ =	swait.ge [sflag:s22], $0x50  }
0x75: {  	[sflag:s22] =	ssyncset.done $0x0  }
0x76: {  	[sflag:s22] =	ssyncadd.s32 $0xFFFFFFB0  }
0x77: {  	[spmem:s4] =	stream.indirect.scatter [tilespmem:s21], [sflag:$0x5], $0x80, s6, s24, $0xb8;
	[tilespmem:$0x1CC00] =	vst v63  }
0x78: {  	_ =	swait.ge [sflag:s22], $0x2800  }
0x79: {  	[sflag:s22] =	ssyncset.done $0x0  }
0x7a: {  	[sflag:s22] =	ssyncadd.s32 $0xFFFFD800  }
0x7b: {  	[spmem:s5] =	stream.indirect.scatter [tilespmem:s23], [sflag:$0x5], $0x10, s6, s24, $0xb8;
	[tilespmem:$0x1CC00] =	vst v63  }
0x7c: {  	_ =	swait.ge [sflag:s22], $0x500  }
0x7d: {  	[sflag:s22] =	ssyncset.done $0x0  }
0x7e: {  	s16 =	rddreg [dreg:$0x12];
	[sflag:s22] =	ssyncadd.s32 $0xFFFFFB00  }
0x7f: {  	[tilespmem:s6], [sflag:$0x5] =	stream.linear.gather [hbm4b:s16+s6], $0x50, $0x38;
	[tilespmem:$0x1CC00] =	vst v63  }
0x80: {  	_ =	swait.ge [sflag:s22], $0x50  }
0x81: {  	[sflag:s22] =	ssyncset.done $0x0  }
0x82: {  	[sflag:s22] =	ssyncadd.s32 $0xFFFFFFB0  }
0x83: {  	[spmem:s4] =	stream.indirect.scatter [tilespmem:s21], [sflag:$0x5], $0x80, s6, s24, $0xb8;
	[tilespmem:$0x1CC00] =	vst v63  }
0x84: {  	_ =	swait.ge [sflag:s22], $0x2800  }
0x85: {  	[sflag:s22] =	ssyncset.done $0x0  }
0x86: {  	[sflag:s22] =	ssyncadd.s32 $0xFFFFD800  }
0x87: {  	[spmem:s5] =	stream.indirect.scatter [tilespmem:s23], [sflag:$0x5], $0x10, s6, s24, $0xb8;
	[tilespmem:$0x1CC00] =	vst v63  }
0x88: {  	_ =	swait.ge [sflag:s22], $0x500  }
0x89: {  	[sflag:s22] =	ssyncset.done $0x0  }
0x8a: {  	[sflag:s22] =	ssyncadd.s32 $0xFFFFFB00  }
0x8b: {  	[bflag:$0x0] =	sbarrier.arrive $0xFFFF  }
0x8c: {  	s17 =	rddreg [dreg:$0x6]  }
0x8d: {  	s8 =	sadd.s32 $0x0, s17  }
0x8e: {  	[tilespmem:s24], [sflag:$0x5] =	stream.linear.gather [hbm4b:s8+s6], $0x190, $0x38;
	[tilespmem:$0x1CC00] =	vst v63  }
0x8f: {  	_ =	swait.ge [sflag:s22], $0x190  }
0x90: {  	s19 =	rddreg [dreg:$0x7];
	[sflag:s22] =	ssyncset.done $0x0  }
0x91: {  	[sflag:s22] =	ssyncadd.s32 $0xFFFFFE70;
	s8 =	sadd.s32 $0x0, s19  }
0x92: {  	[tilespmem:s25], [sflag:$0x5] =	stream.linear.gather [hbm4b:s8+s6], $0x190, $0x38;
	[tilespmem:$0x1CC00] =	vst v63  }
0x93: {  	_ =	swait.ge [sflag:s22], $0x190  }
0x94: {  	[sflag:s22] =	ssyncset.done $0x0  }
0x95: {  	s17 =	rddreg [dreg:$0x13];
	[sflag:s22] =	ssyncadd.s32 $0xFFFFFE70  }
0x96: {  	[tilespmem:s23], [sflag:$0x5] =	stream.linear.gather [hbm4b:s17+s6], $0x1900, $0x38;
	[tilespmem:$0x1CC00] =	vst v63  }
0x97: {  	_ =	swait.ge [sflag:s22], $0x1900  }
0x98: {  	[sflag:s22] =	ssyncset.done $0x0  }
0x99: {  	[sflag:s22] =	ssyncadd.s32 $0xFFFFE700  }
0x9a: {  	[tilespmem:s21], [sflag:$0x1] =	stream.indirect.gather [hbm4b:s1+s24], $0x80, s24, s24, $0xb8;
	[tilespmem:$0x1CC00] =	vst v63  }
0x9b: {  	s20 =	rddreg [dreg:$0x8]  }
0x9c: {  	[tilespmem:s26], [sflag:$0x2] =	stream.indirect.gather [hbm4b:s1+s24], $0x80, s20, s24, $0xb8;
	[tilespmem:$0x1CC00] =	vst v63  }
0x9d: {  	_ =	swait.ge [sflag:s28], $0x2800  }
0x9e: {  	[sflag:s28] =	ssyncset.done $0x0  }
0x9f: {  	[sflag:s28] =	ssyncadd.s32 $0xFFFFD800  }
0xa0: {  	[spmem:s4] =	stream.indirect.scatter.add.f32 [tilespmem:s21], [sflag:$0x3], $0x80, s25, s24, $0xb8;
	[tilespmem:$0x1CC00] =	vst v63  }
0xa1: {  	_ = 	snop  }
0xa2: {  	[spmem:s5] =	stream.indirect.scatter.add.f32 [tilespmem:s23], [sflag:$0x3], $0x10, s25, s24, $0xb8;
	[tilespmem:$0x1CC00] =	vst v63  }
0xa3: {  	_ =	swait.ge [sflag:s29], $0x2800  }
0xa4: {  	[sflag:s29] =	ssyncset.done $0x0  }
0xa5: {  	[sflag:s29] =	ssyncadd.s32 $0xFFFFD800  }
0xa6: {  	_ =	swait.ge [sflag:s29], $0x500  }
0xa7: {  	[sflag:s29] =	ssyncset.done $0x0  }
0xa8: {  	[sflag:s29] =	ssyncadd.s32 $0xFFFFFB00  }
0xa9: {  	[tilespmem:s21], [sflag:$0x1] =	stream.indirect.gather [hbm4b:s1+s24], $0x80, s30, s24, $0xb8;
	[tilespmem:$0x1CC00] =	vst v63  }
0xaa: {  	_ =	swait.ge [sflag:s31], $0x2800  }
0xab: {  	[sflag:s31] =	ssyncset.done $0x0  }
0xac: {  	[sflag:s31] =	ssyncadd.s32 $0xFFFFD800  }
0xad: {  	[spmem:s4] =	stream.indirect.scatter.add.f32 [tilespmem:s26], [sflag:$0x4], $0x80, s2, s24, $0xb8;
	[tilespmem:$0x1CC00] =	vst v63  }
0xae: {  	_ = 	snop  }
0xaf: {  	[spmem:s5] =	stream.indirect.scatter.add.f32 [tilespmem:s0], [sflag:$0x4], $0x10, s2, s24, $0xb8;
	[tilespmem:$0x1CC00] =	vst v63  }
0xb0: {  	_ =	swait.ge [sflag:s3], $0x2800  }
0xb1: {  	[sflag:s3] =	ssyncset.done $0x0  }
0xb2: {  	[sflag:s3] =	ssyncadd.s32 $0xFFFFD800  }
0xb3: {  	_ =	swait.ge [sflag:s3], $0x500  }
0xb4: {  	[sflag:s3] =	ssyncset.done $0x0  }
0xb5: {  	[sflag:s3] =	ssyncadd.s32 $0xFFFFFB00  }
0xb6: {  	[tilespmem:s26], [sflag:$0x2] =	stream.indirect.gather [hbm4b:s1+s24], $0x80, s7, s24, $0xb8;
	[tilespmem:$0x1CC00] =	vst v63  }
0xb7: {  	_ =	swait.ge [sflag:s28], $0x2800  }
0xb8: {  	[sflag:s28] =	ssyncset.done $0x0  }
0xb9: {  	[sflag:s28] =	ssyncadd.s32 $0xFFFFD800  }
0xba: {  	[spmem:s4] =	stream.indirect.scatter.add.f32 [tilespmem:s21], [sflag:$0x3], $0x80, s9, s24, $0xb8;
	[tilespmem:$0x1CC00] =	vst v63  }
0xbb: {  	_ = 	snop  }
0xbc: {  	[spmem:s5] =	stream.indirect.scatter.add.f32 [tilespmem:s10], [sflag:$0x3], $0x10, s9, s24, $0xb8;
	[tilespmem:$0x1CC00] =	vst v63  }
0xbd: {  	_ =	swait.ge [sflag:s29], $0x2800  }
0xbe: {  	[sflag:s29] =	ssyncset.done $0x0  }
0xbf: {  	[sflag:s29] =	ssyncadd.s32 $0xFFFFD800  }
0xc0: {  	_ =	swait.ge [sflag:s29], $0x500  }
0xc1: {  	[sflag:s29] =	ssyncset.done $0x0  }
0xc2: {  	[sflag:s29] =	ssyncadd.s32 $0xFFFFFB00  }
0xc3: {  	[tilespmem:s21], [sflag:$0x1] =	stream.indirect.gather [hbm4b:s1+s24], $0x80, s11, s24, $0xb8;
	[tilespmem:$0x1CC00] =	vst v63  }
0xc4: {  	_ =	swait.ge [sflag:s31], $0x2800  }
0xc5: {  	[sflag:s31] =	ssyncset.done $0x0  }
0xc6: {  	[sflag:s31] =	ssyncadd.s32 $0xFFFFD800  }
0xc7: {  	[spmem:s4] =	stream.indirect.scatter.add.f32 [tilespmem:s26], [sflag:$0x4], $0x80, s12, s24, $0xb8;
	[tilespmem:$0x1CC00] =	vst v63  }
0xc8: {  	_ = 	snop  }
0xc9: {  	[spmem:s5] =	stream.indirect.scatter.add.f32 [tilespmem:s13], [sflag:$0x4], $0x10, s12, s24, $0xb8;
	[tilespmem:$0x1CC00] =	vst v63  }
0xca: {  	_ =	swait.ge [sflag:s3], $0x2800  }
0xcb: {  	[sflag:s3] =	ssyncset.done $0x0  }
0xcc: {  	[sflag:s3] =	ssyncadd.s32 $0xFFFFD800  }
0xcd: {  	_ =	swait.ge [sflag:s3], $0x500  }
0xce: {  	[sflag:s3] =	ssyncset.done $0x0  }
0xcf: {  	[sflag:s3] =	ssyncadd.s32 $0xFFFFFB00  }
0xd0: {  	_ =	swait.ge [sflag:s28], $0x2800  }
0xd1: {  	[sflag:s28] =	ssyncset.done $0x0  }
0xd2: {  	[sflag:s28] =	ssyncadd.s32 $0xFFFFD800  }
0xd3: {  	[spmem:s4] =	stream.indirect.scatter.add.f32 [tilespmem:s21], [sflag:$0x3], $0x80, s14, s24, $0xb8;
	[tilespmem:$0x1CC00] =	vst v63  }
0xd4: {  	_ = 	snop  }
0xd5: {  	[spmem:s5] =	stream.indirect.scatter.add.f32 [tilespmem:s15], [sflag:$0x3], $0x10, s14, s24, $0xb8;
	[tilespmem:$0x1CC00] =	vst v63  }
0xd6: {  	_ =	swait.ge [sflag:s29], $0x2800  }
0xd7: {  	[sflag:s29] =	ssyncset.done $0x0  }
0xd8: {  	[sflag:s29] =	ssyncadd.s32 $0xFFFFD800  }
0xd9: {  	s19 =	simm.s32 $0x64;
	_ =	swait.ge [sflag:s29], $0x500  }
0xda: {  	s8 =	simm.s32 $0x32;
	s20 =	rddreg [dreg:$0x6];
	[sflag:s29] =	ssyncset.done $0x0  }
.LBB2_2:
0xdb: {  	[sflag:s29] =	ssyncadd.s32 $0xFFFFFB00;
	s20 =	sadd.s32 s8, s20  }
0xdc: {  	[tilespmem:s24], [sflag:$0x5] =	stream.linear.gather [hbm4b:s20+s6], $0x190, $0x38;
	[tilespmem:$0x1CC00] =	vst v63  }
0xdd: {  	_ =	swait.ge [sflag:s22], $0x190  }
0xde: {  	s20 =	rddreg [dreg:$0x7];
	[sflag:s22] =	ssyncset.done $0x0  }
0xdf: {  	[sflag:s22] =	ssyncadd.s32 $0xFFFFFE70;
	s20 =	sadd.s32 s8, s20  }
0xe0: {  	[tilespmem:s25], [sflag:$0x5] =	stream.linear.gather [hbm4b:s20+s6], $0x190, $0x38;
	[tilespmem:$0x1CC00] =	vst v63  }
0xe1: {  	_ =	swait.ge [sflag:s22], $0x190  }
0xe2: {  	[sflag:s22] =	ssyncset.done $0x0  }
0xe3: {  	s17 =	sadd.s32 $0x320, s17;
	[sflag:s22] =	ssyncadd.s32 $0xFFFFFE70  }
0xe4: {  	[tilespmem:s23], [sflag:$0x5] =	stream.linear.gather [hbm4b:s17+s6], $0x1900, $0x38;
	[tilespmem:$0x1CC00] =	vst v63  }
0xe5: {  	_ =	swait.ge [sflag:s22], $0x1900  }
0xe6: {  	[sflag:s22] =	ssyncset.done $0x0  }
0xe7: {  	[sflag:s22] =	ssyncadd.s32 $0xFFFFE700  }
0xe8: {  	[tilespmem:s21], [sflag:$0x1] =	stream.indirect.gather [hbm4b:s1+s24], $0x80, s24, s24, $0xb8;
	[tilespmem:$0x1CC00] =	vst v63  }
0xe9: {  	s20 =	rddreg [dreg:$0x8]  }
0xea: {  	[tilespmem:s26], [sflag:$0x2] =	stream.indirect.gather [hbm4b:s1+s24], $0x80, s20, s24, $0xb8;
	[tilespmem:$0x1CC00] =	vst v63  }
0xeb: {  	_ =	swait.ge [sflag:s28], $0x2800  }
0xec: {  	[sflag:s28] =	ssyncset.done $0x0  }
0xed: {  	[sflag:s28] =	ssyncadd.s32 $0xFFFFD800  }
0xee: {  	[spmem:s4] =	stream.indirect.scatter.add.f32 [tilespmem:s21], [sflag:$0x3], $0x80, s25, s24, $0xb8;
	[tilespmem:$0x1CC00] =	vst v63  }
0xef: {  	_ = 	snop  }
0xf0: {  	[spmem:s5] =	stream.indirect.scatter.add.f32 [tilespmem:s23], [sflag:$0x3], $0x10, s25, s24, $0xb8;
	[tilespmem:$0x1CC00] =	vst v63  }
0xf1: {  	_ =	swait.ge [sflag:s29], $0x2800  }
0xf2: {  	[sflag:s29] =	ssyncset.done $0x0  }
0xf3: {  	[sflag:s29] =	ssyncadd.s32 $0xFFFFD800  }
0xf4: {  	_ =	swait.ge [sflag:s29], $0x500  }
0xf5: {  	[sflag:s29] =	ssyncset.done $0x0  }
0xf6: {  	[sflag:s29] =	ssyncadd.s32 $0xFFFFFB00  }
0xf7: {  	[tilespmem:s21], [sflag:$0x1] =	stream.indirect.gather [hbm4b:s1+s24], $0x80, s30, s24, $0xb8;
	[tilespmem:$0x1CC00] =	vst v63  }
0xf8: {  	_ =	swait.ge [sflag:s31], $0x2800  }
0xf9: {  	[sflag:s31] =	ssyncset.done $0x0  }
0xfa: {  	[sflag:s31] =	ssyncadd.s32 $0xFFFFD800  }
0xfb: {  	[spmem:s4] =	stream.indirect.scatter.add.f32 [tilespmem:s26], [sflag:$0x4], $0x80, s2, s24, $0xb8;
	[tilespmem:$0x1CC00] =	vst v63  }
0xfc: {  	_ = 	snop  }
0xfd: {  	[spmem:s5] =	stream.indirect.scatter.add.f32 [tilespmem:s0], [sflag:$0x4], $0x10, s2, s24, $0xb8;
	[tilespmem:$0x1CC00] =	vst v63  }
0xfe: {  	_ =	swait.ge [sflag:s3], $0x2800  }
0xff: {  	[sflag:s3] =	ssyncset.done $0x0  }
0x100: {  	[sflag:s3] =	ssyncadd.s32 $0xFFFFD800  }
0x101: {  	_ =	swait.ge [sflag:s3], $0x500  }
0x102: {  	[sflag:s3] =	ssyncset.done $0x0  }
0x103: {  	[sflag:s3] =	ssyncadd.s32 $0xFFFFFB00  }
0x104: {  	[tilespmem:s26], [sflag:$0x2] =	stream.indirect.gather [hbm4b:s1+s24], $0x80, s7, s24, $0xb8;
	[tilespmem:$0x1CC00] =	vst v63  }
0x105: {  	_ =	swait.ge [sflag:s28], $0x2800  }
0x106: {  	[sflag:s28] =	ssyncset.done $0x0  }
0x107: {  	[sflag:s28] =	ssyncadd.s32 $0xFFFFD800  }
0x108: {  	[spmem:s4] =	stream.indirect.scatter.add.f32 [tilespmem:s21], [sflag:$0x3], $0x80, s9, s24, $0xb8;
	[tilespmem:$0x1CC00] =	vst v63  }
0x109: {  	_ = 	snop  }
0x10a: {  	[spmem:s5] =	stream.indirect.scatter.add.f32 [tilespmem:s10], [sflag:$0x3], $0x10, s9, s24, $0xb8;
	[tilespmem:$0x1CC00] =	vst v63  }
0x10b: {  	_ =	swait.ge [sflag:s29], $0x2800  }
0x10c: {  	[sflag:s29] =	ssyncset.done $0x0  }
0x10d: {  	[sflag:s29] =	ssyncadd.s32 $0xFFFFD800  }
0x10e: {  	_ =	swait.ge [sflag:s29], $0x500  }
0x10f: {  	[sflag:s29] =	ssyncset.done $0x0  }
0x110: {  	[sflag:s29] =	ssyncadd.s32 $0xFFFFFB00  }
0x111: {  	[tilespmem:s21], [sflag:$0x1] =	stream.indirect.gather [hbm4b:s1+s24], $0x80, s11, s24, $0xb8;
	[tilespmem:$0x1CC00] =	vst v63  }
0x112: {  	_ =	swait.ge [sflag:s31], $0x2800  }
0x113: {  	[sflag:s31] =	ssyncset.done $0x0  }
0x114: {  	[sflag:s31] =	ssyncadd.s32 $0xFFFFD800  }
0x115: {  	[spmem:s4] =	stream.indirect.scatter.add.f32 [tilespmem:s26], [sflag:$0x4], $0x80, s12, s24, $0xb8;
	[tilespmem:$0x1CC00] =	vst v63  }
0x116: {  	_ = 	snop  }
0x117: {  	[spmem:s5] =	stream.indirect.scatter.add.f32 [tilespmem:s13], [sflag:$0x4], $0x10, s12, s24, $0xb8;
	[tilespmem:$0x1CC00] =	vst v63  }
0x118: {  	_ =	swait.ge [sflag:s3], $0x2800  }
0x119: {  	[sflag:s3] =	ssyncset.done $0x0  }
0x11a: {  	[sflag:s3] =	ssyncadd.s32 $0xFFFFD800  }
0x11b: {  	_ =	swait.ge [sflag:s3], $0x500  }
0x11c: {  	[sflag:s3] =	ssyncset.done $0x0  }
0x11d: {  	[sflag:s3] =	ssyncadd.s32 $0xFFFFFB00  }
0x11e: {  	_ =	swait.ge [sflag:s28], $0x2800  }
0x11f: {  	[sflag:s28] =	ssyncset.done $0x0  }
0x120: {  	[sflag:s28] =	ssyncadd.s32 $0xFFFFD800  }
0x121: {  	[spmem:s4] =	stream.indirect.scatter.add.f32 [tilespmem:s21], [sflag:$0x3], $0x80, s14, s24, $0xb8;
	[tilespmem:$0x1CC00] =	vst v63  }
0x122: {  	p0 =	sne.s32 s19, $0x4B0  }
0x123: {  	[spmem:s5] =	stream.indirect.scatter.add.f32 [tilespmem:s15], [sflag:$0x3], $0x10, s14, s24, $0xb8;
	[tilespmem:$0x1CC00] =	vst v63  }
.Ltmp0:
0x124: {  	_ =	swait.ge [sflag:s29], $0x2800;
	(pc) =	sbr.rel @p0 .LBB2_2-.Ltmp0, $4  }
0x125: {  	[sflag:s29] =	ssyncset.done $0x0  }
0x126: {  	[sflag:s29] =	ssyncadd.s32 $0xFFFFD800  }
0x127: {  	s16 =	smov.u32 s19;
	s19 =	sadd.s32 $0x32, s19;
	_ =	swait.ge [sflag:s29], $0x500  }
0x128: {  	s8 =	smov.u32 s16;
	s20 =	rddreg [dreg:$0x6];
	[sflag:s29] =	ssyncset.done $0x0  }
0x129: {  	[sflag:s29] =	ssyncadd.s32 $0xFFFFFB00;
	s16 =	sadd.s32 s8, s20  }
0x12a: {  	[tilespmem:s24], [sflag:$0x5] =	stream.linear.gather [hbm4b:s16+s6], $0x190, $0x38;
	[tilespmem:$0x1CC00] =	vst v63  }
0x12b: {  	_ =	swait.ge [sflag:s22], $0x190  }
0x12c: {  	s20 =	rddreg [dreg:$0x7];
	[sflag:s22] =	ssyncset.done $0x0  }
0x12d: {  	[sflag:s22] =	ssyncadd.s32 $0xFFFFFE70;
	s16 =	sadd.s32 s8, s20  }
0x12e: {  	[tilespmem:s25], [sflag:$0x5] =	stream.linear.gather [hbm4b:s16+s6], $0x190, $0x38;
	[tilespmem:$0x1CC00] =	vst v63  }
0x12f: {  	_ =	swait.ge [sflag:s22], $0x190  }
0x130: {  	[sflag:s22] =	ssyncset.done $0x0  }
0x131: {  	s19 =	sadd.s32 $0x320, s17;
	[sflag:s22] =	ssyncadd.s32 $0xFFFFFE70  }
0x132: {  	[tilespmem:s23], [sflag:$0x5] =	stream.linear.gather [hbm4b:s19+s6], $0x1900, $0x38;
	[tilespmem:$0x1CC00] =	vst v63  }
0x133: {  	_ =	swait.ge [sflag:s22], $0x1900  }
0x134: {  	[sflag:s22] =	ssyncset.done $0x0  }
0x135: {  	[sflag:s22] =	ssyncadd.s32 $0xFFFFE700  }
0x136: {  	[tilespmem:s21], [sflag:$0x1] =	stream.indirect.gather [hbm4b:s1+s24], $0x80, s24, s24, $0xb8;
	[tilespmem:$0x1CC00] =	vst v63  }
0x137: {  	s20 =	rddreg [dreg:$0x8]  }
0x138: {  	[tilespmem:s26], [sflag:$0x2] =	stream.indirect.gather [hbm4b:s1+s24], $0x80, s20, s24, $0xb8;
	[tilespmem:$0x1CC00] =	vst v63  }
0x139: {  	_ =	swait.ge [sflag:s28], $0x2800  }
0x13a: {  	[sflag:s28] =	ssyncset.done $0x0  }
0x13b: {  	[sflag:s28] =	ssyncadd.s32 $0xFFFFD800  }
0x13c: {  	[spmem:s4] =	stream.indirect.scatter.add.f32 [tilespmem:s21], [sflag:$0x3], $0x80, s25, s24, $0xb8;
	[tilespmem:$0x1CC00] =	vst v63  }
0x13d: {  	_ = 	snop  }
0x13e: {  	[spmem:s5] =	stream.indirect.scatter.add.f32 [tilespmem:s23], [sflag:$0x3], $0x10, s25, s24, $0xb8;
	[tilespmem:$0x1CC00] =	vst v63  }
0x13f: {  	_ =	swait.ge [sflag:s29], $0x2800  }
0x140: {  	[sflag:s29] =	ssyncset.done $0x0  }
0x141: {  	[sflag:s29] =	ssyncadd.s32 $0xFFFFD800  }
0x142: {  	_ =	swait.ge [sflag:s29], $0x500  }
0x143: {  	[sflag:s29] =	ssyncset.done $0x0  }
0x144: {  	[sflag:s29] =	ssyncadd.s32 $0xFFFFFB00  }
0x145: {  	[tilespmem:s21], [sflag:$0x1] =	stream.indirect.gather [hbm4b:s1+s24], $0x80, s30, s24, $0xb8;
	[tilespmem:$0x1CC00] =	vst v63  }
0x146: {  	_ =	swait.ge [sflag:s31], $0x2800  }
0x147: {  	[sflag:s31] =	ssyncset.done $0x0  }
0x148: {  	[sflag:s31] =	ssyncadd.s32 $0xFFFFD800  }
0x149: {  	[spmem:s4] =	stream.indirect.scatter.add.f32 [tilespmem:s26], [sflag:$0x4], $0x80, s2, s24, $0xb8;
	[tilespmem:$0x1CC00] =	vst v63  }
0x14a: {  	_ = 	snop  }
0x14b: {  	[spmem:s5] =	stream.indirect.scatter.add.f32 [tilespmem:s0], [sflag:$0x4], $0x10, s2, s24, $0xb8;
	[tilespmem:$0x1CC00] =	vst v63  }
0x14c: {  	_ =	swait.ge [sflag:s3], $0x2800  }
0x14d: {  	[sflag:s3] =	ssyncset.done $0x0  }
0x14e: {  	[sflag:s3] =	ssyncadd.s32 $0xFFFFD800  }
0x14f: {  	_ =	swait.ge [sflag:s3], $0x500  }
0x150: {  	[sflag:s3] =	ssyncset.done $0x0  }
0x151: {  	[sflag:s3] =	ssyncadd.s32 $0xFFFFFB00  }
0x152: {  	[tilespmem:s26], [sflag:$0x2] =	stream.indirect.gather [hbm4b:s1+s24], $0x80, s7, s24, $0xb8;
	[tilespmem:$0x1CC00] =	vst v63  }
0x153: {  	_ =	swait.ge [sflag:s28], $0x2800  }
0x154: {  	[sflag:s28] =	ssyncset.done $0x0  }
0x155: {  	[sflag:s28] =	ssyncadd.s32 $0xFFFFD800  }
0x156: {  	[spmem:s4] =	stream.indirect.scatter.add.f32 [tilespmem:s21], [sflag:$0x3], $0x80, s9, s24, $0xb8;
	[tilespmem:$0x1CC00] =	vst v63  }
0x157: {  	_ = 	snop  }
0x158: {  	[spmem:s5] =	stream.indirect.scatter.add.f32 [tilespmem:s10], [sflag:$0x3], $0x10, s9, s24, $0xb8;
	[tilespmem:$0x1CC00] =	vst v63  }
0x159: {  	_ =	swait.ge [sflag:s29], $0x2800  }
0x15a: {  	[sflag:s29] =	ssyncset.done $0x0  }
0x15b: {  	[sflag:s29] =	ssyncadd.s32 $0xFFFFD800  }
0x15c: {  	_ =	swait.ge [sflag:s29], $0x500  }
0x15d: {  	[sflag:s29] =	ssyncset.done $0x0  }
0x15e: {  	[sflag:s29] =	ssyncadd.s32 $0xFFFFFB00  }
0x15f: {  	[tilespmem:s21], [sflag:$0x1] =	stream.indirect.gather [hbm4b:s1+s24], $0x80, s11, s24, $0xb8;
	[tilespmem:$0x1CC00] =	vst v63  }
0x160: {  	_ =	swait.ge [sflag:s31], $0x2800  }
0x161: {  	[sflag:s31] =	ssyncset.done $0x0  }
0x162: {  	[sflag:s31] =	ssyncadd.s32 $0xFFFFD800  }
0x163: {  	[spmem:s4] =	stream.indirect.scatter.add.f32 [tilespmem:s26], [sflag:$0x4], $0x80, s12, s24, $0xb8;
	[tilespmem:$0x1CC00] =	vst v63  }
0x164: {  	_ = 	snop  }
0x165: {  	[spmem:s5] =	stream.indirect.scatter.add.f32 [tilespmem:s13], [sflag:$0x4], $0x10, s12, s24, $0xb8;
	[tilespmem:$0x1CC00] =	vst v63  }
0x166: {  	_ =	swait.ge [sflag:s3], $0x2800  }
0x167: {  	[sflag:s3] =	ssyncset.done $0x0  }
0x168: {  	[sflag:s3] =	ssyncadd.s32 $0xFFFFD800  }
0x169: {  	_ =	swait.ge [sflag:s3], $0x500  }
0x16a: {  	[sflag:s3] =	ssyncset.done $0x0  }
0x16b: {  	[sflag:s3] =	ssyncadd.s32 $0xFFFFFB00  }
0x16c: {  	_ =	swait.ge [sflag:s28], $0x2800  }
0x16d: {  	[sflag:s28] =	ssyncset.done $0x0  }
0x16e: {  	[sflag:s28] =	ssyncadd.s32 $0xFFFFD800  }
0x16f: {  	[spmem:s4] =	stream.indirect.scatter.add.f32 [tilespmem:s21], [sflag:$0x3], $0x80, s14, s24, $0xb8;
	[tilespmem:$0x1CC00] =	vst v63  }
0x170: {  	_ = 	snop  }
0x171: {  	[spmem:s5] =	stream.indirect.scatter.add.f32 [tilespmem:s15], [sflag:$0x3], $0x10, s14, s24, $0xb8;
	[tilespmem:$0x1CC00] =	vst v63  }
0x172: {  	_ =	swait.ge [sflag:s29], $0x2800  }
0x173: {  	[sflag:s29] =	ssyncset.done $0x0  }
0x174: {  	[sflag:s29] =	ssyncadd.s32 $0xFFFFD800  }
0x175: {  	_ =	swait.ge [sflag:s29], $0x500  }
0x176: {  	[sflag:s29] =	ssyncset.done $0x0  }
0x177: {  	[sflag:s29] =	ssyncadd.s32 $0xFFFFFB00  }
0x178: {  	s16 =	sadd.s32 $0x0, s18;
	[bflag:$0x0] =	sbarrier.arrive $0xFFFF  }
0x179: {  	[tilespmem:s6], [sflag:$0x5] =	stream.linear.gather [hbm4b:s16+s6], $0x50, $0x38;
	[tilespmem:$0x1CC00] =	vst v63  }
0x17a: {  	_ =	swait.ge [sflag:s22], $0x50  }
0x17b: {  	[sflag:s22] =	ssyncset.done $0x0  }
0x17c: {  	[sflag:s22] =	ssyncadd.s32 $0xFFFFFFB0  }
0x17d: {  	[tilespmem:s21], [sflag:$0x1] =	stream.indirect.gather [spmem:s4], $0x80, s6, s24, $0xb8;
	[tilespmem:$0x1CC00] =	vst v63  }
0x17e: {  	_ =	swait.ge [sflag:s28], $0x2800  }
0x17f: {  	[sflag:s28] =	ssyncset.done $0x0  }
0x180: {  	s17 =	rddreg [dreg:$0x15];
	[sflag:s28] =	ssyncadd.s32 $0xFFFFD800  }
0x181: {  	[hbm4b:s17+s6] =	stream.linear.scatter [tilespmem:s21], [sflag:$0x5], $0x2800, $0x38;
	[tilespmem:$0x1CC00] =	vst v63  }
0x182: {  	_ =	swait.ge [sflag:s22], $0x2800  }
0x183: {  	[sflag:s22] =	ssyncset.done $0x0  }
0x184: {  	[sflag:s22] =	ssyncadd.s32 $0xFFFFD800  }
0x185: {  	[tilespmem:s23], [sflag:$0x1] =	stream.indirect.gather [spmem:s5], $0x10, s6, s24, $0xb8;
	[tilespmem:$0x1CC00] =	vst v63  }
0x186: {  	_ =	swait.ge [sflag:s28], $0x500  }
0x187: {  	[sflag:s28] =	ssyncset.done $0x0  }
0x188: {  	s30 =	rddreg [dreg:$0x14];
	[sflag:s28] =	ssyncadd.s32 $0xFFFFFB00  }
0x189: {  	[hbm4b:s30+s6] =	stream.linear.scatter [tilespmem:s23], [sflag:$0x5], $0x500, $0x38;
	[tilespmem:$0x1CC00] =	vst v63  }
0x18a: {  	s19 =	simm.s32 $0xA;
	s20 =	simm.s32 $0x14;
	_ =	swait.ge [sflag:s22], $0x500  }
0x18b: {  	s17 =	sadd.s32 $0x500, s17;
	s8 =	sadd.s32 $0xA0, s30;
	[sflag:s22] =	ssyncset.done $0x0  }
.LBB2_4:
0x18c: {  	s16 =	sadd.s32 s19, s18  }
0x18d: {  	[sflag:s22] =	ssyncadd.s32 $0xFFFFFB00;
	s19 =	smov.u32 s20;
	s30 =	sadd.s32 $0xA, s20  }
0x18e: {  	[tilespmem:s6], [sflag:$0x5] =	stream.linear.gather [hbm4b:s16+s6], $0x50, $0x38;
	[tilespmem:$0x1CC00] =	vst v63  }
0x18f: {  	p0 =	sne.s32 s20, $0x46;
	_ =	swait.ge [sflag:s22], $0x50  }
0x190: {  	[sflag:s22] =	ssyncset.done $0x0  }
0x191: {  	[sflag:s22] =	ssyncadd.s32 $0xFFFFFFB0  }
0x192: {  	[tilespmem:s21], [sflag:$0x1] =	stream.indirect.gather [spmem:s4], $0x80, s6, s24, $0xb8;
	[tilespmem:$0x1CC00] =	vst v63  }
0x193: {  	_ =	swait.ge [sflag:s28], $0x2800  }
0x194: {  	[sflag:s28] =	ssyncset.done $0x0  }
0x195: {  	[sflag:s28] =	ssyncadd.s32 $0xFFFFD800  }
0x196: {  	[hbm4b:s17+s6] =	stream.linear.scatter [tilespmem:s21], [sflag:$0x5], $0x2800, $0x38;
	[tilespmem:$0x1CC00] =	vst v63  }
0x197: {  	_ =	swait.ge [sflag:s22], $0x2800  }
0x198: {  	[sflag:s22] =	ssyncset.done $0x0  }
0x199: {  	[sflag:s22] =	ssyncadd.s32 $0xFFFFD800  }
0x19a: {  	[tilespmem:s23], [sflag:$0x1] =	stream.indirect.gather [spmem:s5], $0x10, s6, s24, $0xb8;
	[tilespmem:$0x1CC00] =	vst v63  }
0x19b: {  	_ =	swait.ge [sflag:s28], $0x500  }
.Ltmp1:
0x19c: {  	[sflag:s28] =	ssyncset.done $0x0;
	(pc) =	sbr.rel @p0 .LBB2_4-.Ltmp1, $4  }
0x19d: {  	[sflag:s28] =	ssyncadd.s32 $0xFFFFFB00  }
0x19e: {  	[hbm4b:s8+s6] =	stream.linear.scatter [tilespmem:s23], [sflag:$0x5], $0x500, $0x38;
	[tilespmem:$0x1CC00] =	vst v63  }
0x19f: {  	s20 =	smov.u32 s30;
	_ =	swait.ge [sflag:s22], $0x500  }
0x1a0: {  	s17 =	sadd.s32 $0x500, s17;
	s8 =	sadd.s32 $0xA0, s8;
	[sflag:s22] =	ssyncset.done $0x0  }
0x1a1: {  	s16 =	sadd.s32 s19, s18;
	[sflag:s22] =	ssyncadd.s32 $0xFFFFFB00  }
0x1a2: {  	[tilespmem:s6], [sflag:$0x5] =	stream.linear.gather [hbm4b:s16+s6], $0x50, $0x38;
	[tilespmem:$0x1CC00] =	vst v63  }
0x1a3: {  	_ =	swait.ge [sflag:s22], $0x50  }
0x1a4: {  	[sflag:s22] =	ssyncset.done $0x0  }
0x1a5: {  	[sflag:s22] =	ssyncadd.s32 $0xFFFFFFB0  }
0x1a6: {  	[tilespmem:s21], [sflag:$0x1] =	stream.indirect.gather [spmem:s4], $0x80, s6, s24, $0xb8;
	[tilespmem:$0x1CC00] =	vst v63  }
0x1a7: {  	_ =	swait.ge [sflag:s28], $0x2800  }
0x1a8: {  	[sflag:s28] =	ssyncset.done $0x0  }
0x1a9: {  	[sflag:s28] =	ssyncadd.s32 $0xFFFFD800  }
0x1aa: {  	[hbm4b:s17+s6] =	stream.linear.scatter [tilespmem:s21], [sflag:$0x5], $0x2800, $0x38;
	[tilespmem:$0x1CC00] =	vst v63  }
0x1ab: {  	_ =	swait.ge [sflag:s22], $0x2800  }
0x1ac: {  	[sflag:s22] =	ssyncset.done $0x0  }
0x1ad: {  	[sflag:s22] =	ssyncadd.s32 $0xFFFFD800  }
0x1ae: {  	[tilespmem:s23], [sflag:$0x1] =	stream.indirect.gather [spmem:s5], $0x10, s6, s24, $0xb8;
	[tilespmem:$0x1CC00] =	vst v63  }
0x1af: {  	_ =	swait.ge [sflag:s28], $0x500  }
0x1b0: {  	[sflag:s28] =	ssyncset.done $0x0  }
0x1b1: {  	[sflag:s28] =	ssyncadd.s32 $0xFFFFFB00  }
0x1b2: {  	[hbm4b:s8+s6] =	stream.linear.scatter [tilespmem:s23], [sflag:$0x5], $0x500, $0x38;
	[tilespmem:$0x1CC00] =	vst v63  }
0x1b3: {  	_ =	swait.ge [sflag:s22], $0x500  }
0x1b4: {  	s19 =	rddreg [dreg:$0x16]  }
0x1b5: {  	s20 =	rddreg [dreg:$0xb];
	s16 =	sadd.s32 $0x1, s19  }
0x1b6: {  	p0 =	sne.s32 s16, s20  }
.Ltmp2:
0x1b7: {  	_ = 	snop;
	(pc) =	sbr.rel @p0 .LBB2_1-.Ltmp2, $3  }
0x1b8: {  	_ =	sdelay $0x1  }
0x1b9: {  	[sflag:s22] =	ssyncset.done $0x0  }
0x1ba: {  	s30 =	simm.s32 $0xF0;
	[sflag:s22] =	ssyncadd.s32 $0xFFFFFB00  }
0x1bb: {  	_ =	sfence.sel $0x180000  }
0x1bc: {  	[bflag:$0x0] =	sbarrier.arrive $0xFFFF  }
0x1bd: {  	_ =	strace $0x90000047  }
0x1be: {  	s0 =	stileid.u32;
	[bflag:$0x2] =	sbarrier.arrive $0xFFFF  }
0x1bf: {  	p0 =	sne.s32 s0, $0x0;
	s0 =	rddreg [dreg:$0x5]  }
0x1c0: {  	s0 =	sadd.s32 @!p0 $0x100000, s0  }
0x1c1: {  	[sflag:s0] =	ssyncadd.tile.s32 @!p0 $0x1;
	_ =	shalt  }
.Lfunc_end2:
_tile_overlayer_lowered:
.L_overlay_start_2:
0x1c2: {  	(tag) =	ssettag $0x2  }
0x1c3: {  	s0 =	rddreg [dreg:$0x0];
	s2 =	stileid.u32  }
0x1c4: {  	s1 =	rddreg [dreg:$0x1];
	p0 =	sne.s32 s2, $0x0  }
0x1c5: {  	s3 =	rddreg [dreg:$0x2];
	[bflag:$0x3] =	sbarrier.arrive $0xFFFF;
	s2 =	simm.s32 @!p0 $0x1C05  }
0x1c6: {  	[timem:s3], [sflag:s2] =	dma.local @!p0 [hbm:s0], s1  }
0x1c7: {  	s0 =	simm.s32 @!p0 $0x5  }
0x1c8: {  	_ =	swait.ge @!p0 [sflag:s0], s1  }
0x1c9: {  	s1 =	ssub.s32 @!p0 $0x0, s1;
	[sflag:s0] =	ssyncset.done @!p0 $0x0  }
0x1ca: {  	[sflag:s0] =	ssyncadd.s32 @!p0 s1  }
0x1cb: {  	[bflag:$0x3] =	sbarrier.arrive $0xFFFF  }
0x1cc: {  	_ =	shalt  }

</sc_bundles>
